<compile_context>
chip_gen: v7x
topology: tpu7x:2x2x1
jax: 0.10.2.dev20260603
libtpu: 0.0.44.dev20260713+nightly
codegen_flags: <defaults>
</compile_context>

<pallas_src>
import functools

import numpy as np
import jax
import jax.numpy as jnp
from jax import lax
from jax.experimental import pallas as pl
from jax.experimental.pallas import tpu as pltpu
from jax.experimental.pallas import tpu_sc as plsc

_B = 4
_N = 4096
_K = 16
_L = 16
_NBLK = _N // _L
_NC = 2
_NS = 16
_NW = _NC * _NS
_WPB = _NW // _B
_ROWS = _N // _WPB
_BIG = np.float32(3.0e38)
_SAMPLE = 256
_HCAP = _N + _L


def _sqrt16(a):
    i = plsc.bitcast(a, jnp.int32)
    i = jnp.int32(0x5F3759DF) - (i >> 1)
    y = plsc.bitcast(i, jnp.float32)
    ah = a * jnp.float32(0.5)
    y = y * (jnp.float32(1.5) - ah * y * y)
    y = y * (jnp.float32(1.5) - ah * y * y)
    y = y * (jnp.float32(1.5) - ah * y * y)
    return jnp.where(a > 0.0, a * y, jnp.float32(0.0))


def _body(rx_hbm, ry_hbm, rz_hbm, px_hbm, py_hbm, pz_hbm, out_hbm,
          xs, ys, zs, pxs, pys, pzs, sqc, hitv, hitv2, hitv3, hitv4, accv):
    wid = lax.axis_index("s") * _NC + lax.axis_index("c")
    batch = wid // _WPB
    row0 = (wid % _WPB) * _ROWS

    boff = batch * _N
    pltpu.sync_copy(rx_hbm.at[pl.ds(boff, _N)], xs)
    pltpu.sync_copy(ry_hbm.at[pl.ds(boff, _N)], ys)
    pltpu.sync_copy(rz_hbm.at[pl.ds(boff, _N)], zs)
    pltpu.sync_copy(px_hbm.at[pl.ds(boff, _N)], pxs)
    pltpu.sync_copy(py_hbm.at[pl.ds(boff, _N)], pys)
    pltpu.sync_copy(pz_hbm.at[pl.ds(boff, _N)], pzs)

    iota = lax.iota(jnp.int32, _L)

    @plsc.parallel_loop(0, _NBLK, unroll=4)
    def _sq(c):
        base = c * _L
        xv = xs[pl.ds(base, _L)]
        yv = ys[pl.ds(base, _L)]
        zv = zs[pl.ds(base, _L)]
        sqc[pl.ds(base, _L)] = xv * xv + yv * yv + zv * zv

    def key_block(base, q):
        xv = xs[pl.ds(base, _L)]
        yv = ys[pl.ds(base, _L)]
        zv = zs[pl.ds(base, _L)]
        sc = sqc[pl.ds(base, _L)]
        t0 = q[0] * xv + q[1] * yv + q[2] * zv
        return sc - 2.0 * t0

    def merge(carry, d2, idxv):
        bk, bv = carry
        sk, sv = plsc.sort_key_val(d2, idxv, descending=True)
        take = bk <= sk
        mk = jnp.where(take, bk, sk)
        mv = jnp.where(take, bv, sv)
        nk, nv = plsc.sort_key_val(mk, mv)
        return nk, nv

    def sample_top16x4(qs, rvs):
        def p1_body(c, carry):
            base = c * _L
            xv = xs[pl.ds(base, _L)]
            yv = ys[pl.ds(base, _L)]
            zv = zs[pl.ds(base, _L)]
            sc = sqc[pl.ds(base, _L)]
            idxv = iota + base
            out = []
            for q, rv, ch in zip(qs, rvs, carry):
                v = sc - 2.0 * (q[0] * xv + q[1] * yv + q[2] * zv)
                v = jnp.where(idxv == rv, _BIG, v)
                out.append(merge(ch, v, idxv))
            return tuple(out)

        bk0 = jnp.full((_L,), _BIG, jnp.float32)
        bv0 = jnp.zeros((_L,), jnp.int32)
        init = tuple((bk0, bv0) for _ in range(4))
        return lax.fori_loop(0, _SAMPLE // _L, p1_body, init)

    def merge_hits_x4(chains, cnts, hrefs, rvs, qs):
        def p3_body(j, carry):
            base = j * _L
            out = []
            for (bk, bv), cnt, hv_ref, rv, q in zip(
                    carry, cnts, hrefs, rvs, qs):
                valid = iota + base < cnt
                hv = hv_ref[pl.ds(base, _L)]
                cx = plsc.load_gather(xs, [hv], mask=valid)
                cy = plsc.load_gather(ys, [hv], mask=valid)
                cz = plsc.load_gather(zs, [hv], mask=valid)
                scv = plsc.load_gather(sqc, [hv], mask=valid)
                hk = scv - 2.0 * (q[0] * cx + q[1] * cy + q[2] * cz)
                hk = jnp.where(valid, hk, _BIG)
                hk = jnp.where(hv == rv, _BIG, hk)
                out.append(merge((bk, bv), hk, hv))
            return tuple(out)

        cmax = jnp.maximum(jnp.maximum(cnts[0], cnts[1]),
                           jnp.maximum(cnts[2], cnts[3]))
        nit = (cmax + _L - 1) // _L
        return lax.fori_loop(0, nit, p3_body, chains)

    def edge_loss(rv, bk, bv):
        sqq = plsc.load_gather(sqc, [rv])
        dist_ref = _sqrt16(bk + sqq)
        qpx = plsc.load_gather(pxs, [rv])
        qpy = plsc.load_gather(pys, [rv])
        qpz = plsc.load_gather(pzs, [rv])
        nx = plsc.load_gather(pxs, [bv])
        ny = plsc.load_gather(pys, [bv])
        nz = plsc.load_gather(pzs, [bv])
        ddx = nx - qpx
        ddy = ny - qpy
        ddz = nz - qpz
        dist = _sqrt16(ddx * ddx + ddy * ddy + ddz * ddz)
        return jnp.abs(dist_ref - dist)

    def quad_body(p, acc_comp):
        acc, comp = acc_comp
        ra = row0 + 4 * p
        rva = jnp.full((_L,), ra, jnp.int32)
        rvs = (rva, rva + 1, rva + 2, rva + 3)
        qs = tuple(tuple(plsc.load_gather(s, [rv]) for s in (xs, ys, zs))
                   for rv in rvs)

        chains = sample_top16x4(qs, rvs)
        ts = tuple(jnp.max(ch[0]) for ch in chains)

        hrefs = (hitv, hitv2, hitv3, hitv4)
        zero4 = (jnp.int32(0),) * 4

        @plsc.parallel_loop(_SAMPLE // _L, _NBLK, unroll=4, carry=zero4)
        def p2_cnt(c, cnts):
            base = c * _L
            xv = xs[pl.ds(base, _L)]
            yv = ys[pl.ds(base, _L)]
            zv = zs[pl.ds(base, _L)]
            sc = sqc[pl.ds(base, _L)]
            idxv = iota + base
            out = []
            for q, t, hv_ref, cnt in zip(qs, ts, hrefs, cnts):
                v = sc - 2.0 * (q[0] * xv + q[1] * yv + q[2] * zv)
                hit = v < t
                plsc.store_compressed(hv_ref.at[pl.ds(cnt, _L)], idxv, mask=hit)
                out.append(cnt + plsc.all_reduce_population_count(hit)[0])
            return tuple(out)

        chains = merge_hits_x4(chains, p2_cnt, hrefs, rvs, qs)
        term = jnp.zeros((_L,), jnp.float32)
        for (bk, bv), rv in zip(chains, rvs):
            term = term + edge_loss(rv, bk, bv)

        y = term - comp
        t = acc + y
        comp = (t - acc) - y
        return t, comp

    zero = jnp.zeros((_L,), jnp.float32)
    acc, _ = lax.fori_loop(0, _ROWS // 4, quad_body, (zero, zero))
    accv[...] = acc
    pltpu.sync_copy(accv, out_hbm.at[wid])


@jax.jit
def _partials(rx, ry, rz, px, py, pz):
    mesh = plsc.VectorSubcoreMesh(
        core_axis_name="c", subcore_axis_name="s",
        num_cores=_NC, num_subcores=_NS)
    f = pl.kernel(
        _body,
        out_type=jax.ShapeDtypeStruct((_NW, _L), jnp.float32),
        mesh=mesh,
        scratch_types=[
            pltpu.VMEM((_N,), jnp.float32),
            pltpu.VMEM((_N,), jnp.float32),
            pltpu.VMEM((_N,), jnp.float32),
            pltpu.VMEM((_N,), jnp.float32),
            pltpu.VMEM((_N,), jnp.float32),
            pltpu.VMEM((_N,), jnp.float32),
            pltpu.VMEM((_N,), jnp.float32),
            pltpu.VMEM((_HCAP,), jnp.int32),
            pltpu.VMEM((_HCAP,), jnp.int32),
            pltpu.VMEM((_HCAP,), jnp.int32),
            pltpu.VMEM((_HCAP,), jnp.int32),
            pltpu.VMEM((_L,), jnp.float32),
        ],
        compiler_params=pltpu.CompilerParams(needs_layout_passes=False),
    )
    return f(rx, ry, rz, px, py, pz)


def kernel(points_ref, points):
    rx, ry, rz = (points_ref[:, :, i].reshape(-1) for i in range(3))
    px, py, pz = (points[:, :, i].reshape(-1) for i in range(3))
    partials = _partials(rx, ry, rz, px, py, pz)
    return jnp.sum(partials) / jnp.float32(_B * _N * _K)

# --- scband reference (transcript-rebuilt; emitter-appended) ---
"""Pipeline reference for scband-point-edge-length-loss-1382979470104 (READ-ONLY COPY).

The authoritative reference and input builder live on the scoring server;
editing this copy changes nothing except your own understanding.
"""

import jax, jax.numpy as jnp
import numpy as np

NN_SIZE = 16


def setup_inputs(seed: int = 0) -> dict:
    key = jax.random.key(seed)
    k1, k2 = jax.random.split(key)
    points_ref = jax.random.normal(k1, (4, 4096, 3), dtype=jnp.float32)
    points = jax.random.normal(k2, (4, 4096, 3), dtype=jnp.float32)
    return {"points_ref": points_ref, "points": points}


def _knn_idx(pref, K):
    # brute-force knn_points(pref, pref, K): squared euclidean distances
    sq = jnp.sum(pref * pref, axis=-1)  # (B, N)
    d2 = sq[:, :, None] + sq[:, None, :] - 2.0 * jnp.einsum('bnd,bmd->bnm', pref, pref)  # (B, N, N)
    _, idx = jax.lax.top_k(-d2, K)  # smallest distances first; idx (B, N, K)
    return idx


def _gather_points(pts, idx):
    # pts: (B, N, D), idx: (B, N, K) -> (B, N, K, D)
    return jax.vmap(lambda p, i: p[i])(pts, idx)


def reference(points_ref, points):
    K = NN_SIZE + 1
    # knn indices are discrete (non-differentiable), matching pytorch3d semantics
    knn_idx = _knn_idx(jax.lax.stop_gradient(points_ref), K)
    knn_idx = knn_idx[:, :, 1:]  # drop self-neighbor
    # group_points from knn_points(return_nn=True): differentiable gather of points_ref
    group_ref = _gather_points(points_ref, knn_idx)  # (B, N, K-1, D)
    dist_ref = jnp.linalg.norm(group_ref - points_ref[:, :, None, :], axis=-1)  # (B, N, K-1)
    # gather pred points with the same connectivity
    group_pred = _gather_points(points, knn_idx)  # (B, N, K-1, D)
    dist = jnp.linalg.norm(group_pred - points[:, :, None, :], axis=-1)
    # metric = L1Loss (mean reduction)
    return jnp.mean(jnp.abs(dist_ref - dist))

if __name__ == "__main__":
    import jax
    _d = setup_inputs()
    print(jax.jit(kernel)(*tuple(_d.values())))

</pallas_src>

<mosaic_0001>
#map = affine_map<(d0, d1) -> (0)>
#map1 = affine_map<(d0, d1) -> (0, 0)>
module attributes {stable_mosaic.version = 14 : i64} {
  func.func @_body(%arg0: i32, %arg1: i32, %arg2: memref<16384xf32, #tpu.memory_space<hbm>>, %arg3: memref<16384xf32, #tpu.memory_space<hbm>>, %arg4: memref<16384xf32, #tpu.memory_space<hbm>>, %arg5: memref<16384xf32, #tpu.memory_space<hbm>>, %arg6: memref<16384xf32, #tpu.memory_space<hbm>>, %arg7: memref<16384xf32, #tpu.memory_space<hbm>>, %arg8: memref<32x16xf32, #tpu.memory_space<hbm>>, %arg9: memref<4096xf32, #tpu.memory_space<vmem>>, %arg10: memref<4096xf32, #tpu.memory_space<vmem>>, %arg11: memref<4096xf32, #tpu.memory_space<vmem>>, %arg12: memref<4096xf32, #tpu.memory_space<vmem>>, %arg13: memref<4096xf32, #tpu.memory_space<vmem>>, %arg14: memref<4096xf32, #tpu.memory_space<vmem>>, %arg15: memref<4096xf32, #tpu.memory_space<vmem>>, %arg16: memref<4112xi32, #tpu.memory_space<vmem>>, %arg17: memref<4112xi32, #tpu.memory_space<vmem>>, %arg18: memref<4112xi32, #tpu.memory_space<vmem>>, %arg19: memref<4112xi32, #tpu.memory_space<vmem>>, %arg20: memref<16xf32, #tpu.memory_space<vmem>>) attributes {dimension_semantics = [#tpu.dimension_semantics<core_parallel>, #tpu.dimension_semantics<subcore_parallel>], iteration_bounds = array<i64: 2, 16>, scalar_prefetch = 0 : i64, scratch_operands = 12 : i64, tpu.core_type = #tpu.core_type<sc_vector_subcore>, window_params = [{transform_indices = #map}, {transform_indices = #map}, {transform_indices = #map}, {transform_indices = #map}, {transform_indices = #map}, {transform_indices = #map}, {transform_indices = #map1}]} {
    %mul3A = arith.constant 2 : i32
    %mul3A_0 = arith.muli %arg1, %mul3A : i32
    %add3A = arith.addi %mul3A_0, %arg0 : i32
    %jit3A = arith.constant 8 : i32
    %div3A = arith.divsi %add3A, %jit3A : i32
    %sign3A = arith.constant 0 : i32
    %sign3A_1 = arith.cmpi sgt, %add3A, %sign3A : i32
    %sign3A_2 = arith.extui %sign3A_1 : i1 to i32
    %sign3A_3 = arith.constant 0 : i32
    %sign3A_4 = arith.cmpi slt, %add3A, %sign3A_3 : i32
    %sign3A_5 = arith.extui %sign3A_4 : i1 to i32
    %sign3A_6 = arith.subi %sign3A_2, %sign3A_5 : i32
    %sign3A_7 = arith.constant 0 : i32
    %sign3A_8 = arith.cmpi sgt, %jit3A, %sign3A_7 : i32
    %sign3A_9 = arith.extui %sign3A_8 : i1 to i32
    %sign3A_10 = arith.constant 0 : i32
    %sign3A_11 = arith.cmpi slt, %jit3A, %sign3A_10 : i32
    %sign3A_12 = arith.extui %sign3A_11 : i1 to i32
    %sign3A_13 = arith.subi %sign3A_9, %sign3A_12 : i32
    %ne3A = arith.cmpi ne, %sign3A_6, %sign3A_13 : i32
    %rem3A = arith.remsi %add3A, %jit3A : i32
    %ne3A_14 = arith.constant 0 : i32
    %ne3A_15 = arith.cmpi ne, %rem3A, %ne3A_14 : i32
    %and3A = arith.andi %ne3A, %ne3A_15 : i1
    %sub3A = arith.constant 1 : i32
    %sub3A_16 = arith.subi %div3A, %sub3A : i32
    %select_n3A = arith.select %and3A, %sub3A_16, %div3A : i32
    %jit3A_17 = arith.constant 8 : i32
    %eq3A = arith.constant 0 : i32
    %eq3A_18 = arith.cmpi eq, %jit3A_17, %eq3A : i32
    %jit3A_19 = arith.constant 1 : i32
    %select_n3A_20 = arith.select %eq3A_18, %jit3A_19, %jit3A_17 : i32
    %rem3A_21 = arith.remsi %add3A, %select_n3A_20 : i32
    %ne3A_22 = arith.constant 0 : i32
    %ne3A_23 = arith.cmpi ne, %rem3A_21, %ne3A_22 : i32
    %lt3A = arith.constant 0 : i32
    %lt3A_24 = arith.cmpi slt, %rem3A_21, %lt3A : i32
    %lt3A_25 = arith.constant 0 : i32
    %lt3A_26 = arith.cmpi slt, %select_n3A_20, %lt3A_25 : i32
    %ne3A_27 = arith.xori %lt3A_24, %lt3A_26 : i1
    %and3A_28 = arith.andi %ne3A_27, %ne3A_23 : i1
    %add3A_29 = arith.addi %rem3A_21, %select_n3A_20 : i32
    %select_n3A_30 = arith.select %and3A_28, %add3A_29, %rem3A_21 : i32
    %mul3A_31 = arith.constant 512 : i32
    %mul3A_32 = arith.muli %select_n3A_30, %mul3A_31 : i32
    %mul3A_33 = arith.constant 4096 : i32
    %mul3A_34 = arith.muli %select_n3A, %mul3A_33 : i32
    "tpu.region"() ({
      %run_scoped3A = tpu.sem_alloc : memref<!tpu.dma_semaphore, #tpu.memory_space<semaphore_mem>>
      %dma_start3A = tpu.memref_slice %arg2[%mul3A_34] : memref<16384xf32, #tpu.memory_space<hbm>> -> memref<4096xf32, #tpu.memory_space<hbm>>
      %dma_start3A_44 = tpu.memref_slice %arg2[%mul3A_34] : memref<16384xf32, #tpu.memory_space<hbm>> -> memref<4096xf32, #tpu.memory_space<hbm>>
      tpu.enqueue_dma source(%dma_start3A_44 : memref<4096xf32, #tpu.memory_space<hbm>>) target(%arg9 : memref<4096xf32, #tpu.memory_space<vmem>>) target_semaphore(%run_scoped3A : memref<!tpu.dma_semaphore, #tpu.memory_space<semaphore_mem>>)
      %dma_wait3A = tpu.memref_slice %arg2[%mul3A_34] : memref<16384xf32, #tpu.memory_space<hbm>> -> memref<4096xf32, #tpu.memory_space<hbm>>
      %dma_wait3A_45 = tpu.memref_slice %arg2[%mul3A_34] : memref<16384xf32, #tpu.memory_space<hbm>> -> memref<4096xf32, #tpu.memory_space<hbm>>
      tpu.wait_dma2 semaphore(%run_scoped3A : memref<!tpu.dma_semaphore, #tpu.memory_space<semaphore_mem>>) src(%dma_wait3A_45 : memref<4096xf32, #tpu.memory_space<hbm>>) dst(%arg9 : memref<4096xf32, #tpu.memory_space<vmem>>)
      tpu.yield
    }) : () -> ()
    "tpu.region"() ({
      %run_scoped3A = tpu.sem_alloc : memref<!tpu.dma_semaphore, #tpu.memory_space<semaphore_mem>>
      %dma_start3A = tpu.memref_slice %arg3[%mul3A_34] : memref<16384xf32, #tpu.memory_space<hbm>> -> memref<4096xf32, #tpu.memory_space<hbm>>
      %dma_start3A_44 = tpu.memref_slice %arg3[%mul3A_34] : memref<16384xf32, #tpu.memory_space<hbm>> -> memref<4096xf32, #tpu.memory_space<hbm>>
      tpu.enqueue_dma source(%dma_start3A_44 : memref<4096xf32, #tpu.memory_space<hbm>>) target(%arg10 : memref<4096xf32, #tpu.memory_space<vmem>>) target_semaphore(%run_scoped3A : memref<!tpu.dma_semaphore, #tpu.memory_space<semaphore_mem>>)
      %dma_wait3A = tpu.memref_slice %arg3[%mul3A_34] : memref<16384xf32, #tpu.memory_space<hbm>> -> memref<4096xf32, #tpu.memory_space<hbm>>
      %dma_wait3A_45 = tpu.memref_slice %arg3[%mul3A_34] : memref<16384xf32, #tpu.memory_space<hbm>> -> memref<4096xf32, #tpu.memory_space<hbm>>
      tpu.wait_dma2 semaphore(%run_scoped3A : memref<!tpu.dma_semaphore, #tpu.memory_space<semaphore_mem>>) src(%dma_wait3A_45 : memref<4096xf32, #tpu.memory_space<hbm>>) dst(%arg10 : memref<4096xf32, #tpu.memory_space<vmem>>)
      tpu.yield
    }) : () -> ()
    "tpu.region"() ({
      %run_scoped3A = tpu.sem_alloc : memref<!tpu.dma_semaphore, #tpu.memory_space<semaphore_mem>>
      %dma_start3A = tpu.memref_slice %arg4[%mul3A_34] : memref<16384xf32, #tpu.memory_space<hbm>> -> memref<4096xf32, #tpu.memory_space<hbm>>
      %dma_start3A_44 = tpu.memref_slice %arg4[%mul3A_34] : memref<16384xf32, #tpu.memory_space<hbm>> -> memref<4096xf32, #tpu.memory_space<hbm>>
      tpu.enqueue_dma source(%dma_start3A_44 : memref<4096xf32, #tpu.memory_space<hbm>>) target(%arg11 : memref<4096xf32, #tpu.memory_space<vmem>>) target_semaphore(%run_scoped3A : memref<!tpu.dma_semaphore, #tpu.memory_space<semaphore_mem>>)
      %dma_wait3A = tpu.memref_slice %arg4[%mul3A_34] : memref<16384xf32, #tpu.memory_space<hbm>> -> memref<4096xf32, #tpu.memory_space<hbm>>
      %dma_wait3A_45 = tpu.memref_slice %arg4[%mul3A_34] : memref<16384xf32, #tpu.memory_space<hbm>> -> memref<4096xf32, #tpu.memory_space<hbm>>
      tpu.wait_dma2 semaphore(%run_scoped3A : memref<!tpu.dma_semaphore, #tpu.memory_space<semaphore_mem>>) src(%dma_wait3A_45 : memref<4096xf32, #tpu.memory_space<hbm>>) dst(%arg11 : memref<4096xf32, #tpu.memory_space<vmem>>)
      tpu.yield
    }) : () -> ()
    "tpu.region"() ({
      %run_scoped3A = tpu.sem_alloc : memref<!tpu.dma_semaphore, #tpu.memory_space<semaphore_mem>>
      %dma_start3A = tpu.memref_slice %arg5[%mul3A_34] : memref<16384xf32, #tpu.memory_space<hbm>> -> memref<4096xf32, #tpu.memory_space<hbm>>
      %dma_start3A_44 = tpu.memref_slice %arg5[%mul3A_34] : memref<16384xf32, #tpu.memory_space<hbm>> -> memref<4096xf32, #tpu.memory_space<hbm>>
      tpu.enqueue_dma source(%dma_start3A_44 : memref<4096xf32, #tpu.memory_space<hbm>>) target(%arg12 : memref<4096xf32, #tpu.memory_space<vmem>>) target_semaphore(%run_scoped3A : memref<!tpu.dma_semaphore, #tpu.memory_space<semaphore_mem>>)
      %dma_wait3A = tpu.memref_slice %arg5[%mul3A_34] : memref<16384xf32, #tpu.memory_space<hbm>> -> memref<4096xf32, #tpu.memory_space<hbm>>
      %dma_wait3A_45 = tpu.memref_slice %arg5[%mul3A_34] : memref<16384xf32, #tpu.memory_space<hbm>> -> memref<4096xf32, #tpu.memory_space<hbm>>
      tpu.wait_dma2 semaphore(%run_scoped3A : memref<!tpu.dma_semaphore, #tpu.memory_space<semaphore_mem>>) src(%dma_wait3A_45 : memref<4096xf32, #tpu.memory_space<hbm>>) dst(%arg12 : memref<4096xf32, #tpu.memory_space<vmem>>)
      tpu.yield
    }) : () -> ()
    "tpu.region"() ({
      %run_scoped3A = tpu.sem_alloc : memref<!tpu.dma_semaphore, #tpu.memory_space<semaphore_mem>>
      %dma_start3A = tpu.memref_slice %arg6[%mul3A_34] : memref<16384xf32, #tpu.memory_space<hbm>> -> memref<4096xf32, #tpu.memory_space<hbm>>
      %dma_start3A_44 = tpu.memref_slice %arg6[%mul3A_34] : memref<16384xf32, #tpu.memory_space<hbm>> -> memref<4096xf32, #tpu.memory_space<hbm>>
      tpu.enqueue_dma source(%dma_start3A_44 : memref<4096xf32, #tpu.memory_space<hbm>>) target(%arg13 : memref<4096xf32, #tpu.memory_space<vmem>>) target_semaphore(%run_scoped3A : memref<!tpu.dma_semaphore, #tpu.memory_space<semaphore_mem>>)
      %dma_wait3A = tpu.memref_slice %arg6[%mul3A_34] : memref<16384xf32, #tpu.memory_space<hbm>> -> memref<4096xf32, #tpu.memory_space<hbm>>
      %dma_wait3A_45 = tpu.memref_slice %arg6[%mul3A_34] : memref<16384xf32, #tpu.memory_space<hbm>> -> memref<4096xf32, #tpu.memory_space<hbm>>
      tpu.wait_dma2 semaphore(%run_scoped3A : memref<!tpu.dma_semaphore, #tpu.memory_space<semaphore_mem>>) src(%dma_wait3A_45 : memref<4096xf32, #tpu.memory_space<hbm>>) dst(%arg13 : memref<4096xf32, #tpu.memory_space<vmem>>)
      tpu.yield
    }) : () -> ()
    "tpu.region"() ({
      %run_scoped3A = tpu.sem_alloc : memref<!tpu.dma_semaphore, #tpu.memory_space<semaphore_mem>>
      %dma_start3A = tpu.memref_slice %arg7[%mul3A_34] : memref<16384xf32, #tpu.memory_space<hbm>> -> memref<4096xf32, #tpu.memory_space<hbm>>
      %dma_start3A_44 = tpu.memref_slice %arg7[%mul3A_34] : memref<16384xf32, #tpu.memory_space<hbm>> -> memref<4096xf32, #tpu.memory_space<hbm>>
      tpu.enqueue_dma source(%dma_start3A_44 : memref<4096xf32, #tpu.memory_space<hbm>>) target(%arg14 : memref<4096xf32, #tpu.memory_space<vmem>>) target_semaphore(%run_scoped3A : memref<!tpu.dma_semaphore, #tpu.memory_space<semaphore_mem>>)
      %dma_wait3A = tpu.memref_slice %arg7[%mul3A_34] : memref<16384xf32, #tpu.memory_space<hbm>> -> memref<4096xf32, #tpu.memory_space<hbm>>
      %dma_wait3A_45 = tpu.memref_slice %arg7[%mul3A_34] : memref<16384xf32, #tpu.memory_space<hbm>> -> memref<4096xf32, #tpu.memory_space<hbm>>
      tpu.wait_dma2 semaphore(%run_scoped3A : memref<!tpu.dma_semaphore, #tpu.memory_space<semaphore_mem>>) src(%dma_wait3A_45 : memref<4096xf32, #tpu.memory_space<hbm>>) dst(%arg14 : memref<4096xf32, #tpu.memory_space<vmem>>)
      tpu.yield
    }) : () -> ()
    %iota3A = tpu.iota {dimensions = array<i32: 0>} : vector<16xi32>
    %parallel_loop3A = arith.constant 0 : i32
    %parallel_loop3A_35 = arith.constant 256 : i32
    %parallel_loop3A_36 = arith.constant 1 : i32
    scf.for %parallel_loop3A_44 = %parallel_loop3A to %parallel_loop3A_35 step %parallel_loop3A_36  : i32 {
      %parallel_loop3A_45 = arith.constant 16 : i32
      %parallel_loop3A_46 = arith.muli %parallel_loop3A_44, %parallel_loop3A_45 : i32
      %parallel_loop3A_47 = arith.index_cast %parallel_loop3A_46 : i32 to index
      %parallel_loop3A_48 = tpu.vector_load %arg9[%parallel_loop3A_47] {strides = array<i32>} : memref<4096xf32, #tpu.memory_space<vmem>>, vector<16xf32>,
      %parallel_loop3A_49 = arith.index_cast %parallel_loop3A_46 : i32 to index
      %parallel_loop3A_50 = tpu.vector_load %arg10[%parallel_loop3A_49] {strides = array<i32>} : memref<4096xf32, #tpu.memory_space<vmem>>, vector<16xf32>,
      %parallel_loop3A_51 = arith.index_cast %parallel_loop3A_46 : i32 to index
      %parallel_loop3A_52 = tpu.vector_load %arg11[%parallel_loop3A_51] {strides = array<i32>} : memref<4096xf32, #tpu.memory_space<vmem>>, vector<16xf32>,
      %parallel_loop3A_53 = arith.mulf %parallel_loop3A_48, %parallel_loop3A_48 : vector<16xf32>
      %parallel_loop3A_54 = arith.mulf %parallel_loop3A_50, %parallel_loop3A_50 : vector<16xf32>
      %parallel_loop3A_55 = arith.addf %parallel_loop3A_53, %parallel_loop3A_54 : vector<16xf32>
      %parallel_loop3A_56 = arith.mulf %parallel_loop3A_52, %parallel_loop3A_52 : vector<16xf32>
      %parallel_loop3A_57 = arith.addf %parallel_loop3A_55, %parallel_loop3A_56 : vector<16xf32>
      %parallel_loop3A_58 = arith.index_cast %parallel_loop3A_46 : i32 to index
      %parallel_loop3A_59 = tpu.vector_load %arg15[%parallel_loop3A_58] {strides = array<i32>} : memref<4096xf32, #tpu.memory_space<vmem>>, vector<16xf32>,
      tpu.vector_store %arg15[%parallel_loop3A_58], %parallel_loop3A_57 {strides = array<i32>} : memref<4096xf32, #tpu.memory_space<vmem>>, vector<16xf32>,
    } {sc.loop_unroll_factor = 4 : i64, sc.parallel_access}
    %broadcast_in_dim3A = arith.constant 0.000000e+00 : f32
    %broadcast_in_dim3A_37 = vector.broadcast %broadcast_in_dim3A : f32 to vector<16xf32>
    %scan3A = arith.constant 0 : i32
    %scan3A_38 = arith.constant 128 : i32
    %scan3A_39 = arith.addi %scan3A, %scan3A_38 : i32
    %scan3A_40 = arith.constant 1 : i32
    %scan3A_41:2 = scf.for %scan3A_44 = %scan3A to %scan3A_39 step %scan3A_40 iter_args(%scan3A_45 = %broadcast_in_dim3A_37, %scan3A_46 = %broadcast_in_dim3A_37) -> (vector<16xf32>, vector<16xf32>)  : i32 {
      %mul3A_47 = arith.constant 4 : i32
      %mul3A_48 = arith.muli %mul3A_47, %scan3A_44 : i32
      %add3A_49 = arith.addi %mul3A_32, %mul3A_48 : i32
      %broadcast_in_dim3A_50 = vector.broadcast %add3A_49 : i32 to vector<16xi32>
      %add3A_51 = arith.constant 1 : i32
      %add3A_52 = vector.broadcast %add3A_51 : i32 to vector<16xi32>
      %add3A_53 = arith.addi %broadcast_in_dim3A_50, %add3A_52 : vector<16xi32>
      %add3A_54 = arith.constant 2 : i32
      %add3A_55 = vector.broadcast %add3A_54 : i32 to vector<16xi32>
      %add3A_56 = arith.addi %broadcast_in_dim3A_50, %add3A_55 : vector<16xi32>
      %add3A_57 = arith.constant 3 : i32
      %add3A_58 = vector.broadcast %add3A_57 : i32 to vector<16xi32>
      %add3A_59 = arith.addi %broadcast_in_dim3A_50, %add3A_58 : vector<16xi32>
      %gather3A = tpu.vector_load_idx %arg9[%broadcast_in_dim3A_50] : memref<4096xf32, #tpu.memory_space<vmem>>[vector<16xi32>], vector<16xf32>,
      %gather3A_60 = tpu.vector_load_idx %arg10[%broadcast_in_dim3A_50] : memref<4096xf32, #tpu.memory_space<vmem>>[vector<16xi32>], vector<16xf32>,
      %gather3A_61 = tpu.vector_load_idx %arg11[%broadcast_in_dim3A_50] : memref<4096xf32, #tpu.memory_space<vmem>>[vector<16xi32>], vector<16xf32>,
      %gather3A_62 = tpu.vector_load_idx %arg9[%add3A_53] : memref<4096xf32, #tpu.memory_space<vmem>>[vector<16xi32>], vector<16xf32>,
      %gather3A_63 = tpu.vector_load_idx %arg10[%add3A_53] : memref<4096xf32, #tpu.memory_space<vmem>>[vector<16xi32>], vector<16xf32>,
      %gather3A_64 = tpu.vector_load_idx %arg11[%add3A_53] : memref<4096xf32, #tpu.memory_space<vmem>>[vector<16xi32>], vector<16xf32>,
      %gather3A_65 = tpu.vector_load_idx %arg9[%add3A_56] : memref<4096xf32, #tpu.memory_space<vmem>>[vector<16xi32>], vector<16xf32>,
      %gather3A_66 = tpu.vector_load_idx %arg10[%add3A_56] : memref<4096xf32, #tpu.memory_space<vmem>>[vector<16xi32>], vector<16xf32>,
      %gather3A_67 = tpu.vector_load_idx %arg11[%add3A_56] : memref<4096xf32, #tpu.memory_space<vmem>>[vector<16xi32>], vector<16xf32>,
      %gather3A_68 = tpu.vector_load_idx %arg9[%add3A_59] : memref<4096xf32, #tpu.memory_space<vmem>>[vector<16xi32>], vector<16xf32>,
      %gather3A_69 = tpu.vector_load_idx %arg10[%add3A_59] : memref<4096xf32, #tpu.memory_space<vmem>>[vector<16xi32>], vector<16xf32>,
      %gather3A_70 = tpu.vector_load_idx %arg11[%add3A_59] : memref<4096xf32, #tpu.memory_space<vmem>>[vector<16xi32>], vector<16xf32>,
      %broadcast_in_dim3A_71 = arith.constant 3.000000e+38 : f32
      %broadcast_in_dim3A_72 = vector.broadcast %broadcast_in_dim3A_71 : f32 to vector<16xf32>
      %broadcast_in_dim3A_73 = arith.constant 0 : i32
      %broadcast_in_dim3A_74 = vector.broadcast %broadcast_in_dim3A_73 : i32 to vector<16xi32>
      %scan3A_75 = arith.constant 0 : i32
      %scan3A_76 = arith.constant 16 : i32
      %scan3A_77 = arith.addi %scan3A_75, %scan3A_76 : i32
      %scan3A_78 = arith.constant 1 : i32
      %scan3A_79:8 = scf.for %scan3A_510 = %scan3A_75 to %scan3A_77 step %scan3A_78 iter_args(%scan3A_511 = %broadcast_in_dim3A_72, %scan3A_512 = %broadcast_in_dim3A_74, %scan3A_513 = %broadcast_in_dim3A_72, %scan3A_514 = %broadcast_in_dim3A_74, %scan3A_515 = %broadcast_in_dim3A_72, %scan3A_516 = %broadcast_in_dim3A_74, %scan3A_517 = %broadcast_in_dim3A_72, %scan3A_518 = %broadcast_in_dim3A_74) -> (vector<16xf32>, vector<16xi32>, vector<16xf32>, vector<16xi32>, vector<16xf32>, vector<16xi32>, vector<16xf32>, vector<16xi32>)  : i32 {
        %mul3A_519 = arith.constant 16 : i32
        %mul3A_520 = arith.muli %scan3A_510, %mul3A_519 : i32
        %get3A = arith.index_cast %mul3A_520 : i32 to index
        %get3A_521 = tpu.vector_load %arg9[%get3A] {strides = array<i32>} : memref<4096xf32, #tpu.memory_space<vmem>>, vector<16xf32>,
        %get3A_522 = arith.index_cast %mul3A_520 : i32 to index
        %get3A_523 = tpu.vector_load %arg10[%get3A_522] {strides = array<i32>} : memref<4096xf32, #tpu.memory_space<vmem>>, vector<16xf32>,
        %get3A_524 = arith.index_cast %mul3A_520 : i32 to index
        %get3A_525 = tpu.vector_load %arg11[%get3A_524] {strides = array<i32>} : memref<4096xf32, #tpu.memory_space<vmem>>, vector<16xf32>,
        %get3A_526 = arith.index_cast %mul3A_520 : i32 to index
        %get3A_527 = tpu.vector_load %arg15[%get3A_526] {strides = array<i32>} : memref<4096xf32, #tpu.memory_space<vmem>>, vector<16xf32>,
        %add3A_528 = vector.broadcast %mul3A_520 : i32 to vector<16xi32>
        %add3A_529 = arith.addi %iota3A, %add3A_528 : vector<16xi32>
        %mul3A_530 = arith.mulf %gather3A, %get3A_521 : vector<16xf32>
        %mul3A_531 = arith.mulf %gather3A_60, %get3A_523 : vector<16xf32>
        %add3A_532 = arith.addf %mul3A_530, %mul3A_531 : vector<16xf32>
        %mul3A_533 = arith.mulf %gather3A_61, %get3A_525 : vector<16xf32>
        %add3A_534 = arith.addf %add3A_532, %mul3A_533 : vector<16xf32>
        %mul3A_535 = arith.constant 2.000000e+00 : f32
        %mul3A_536 = vector.broadcast %mul3A_535 : f32 to vector<16xf32>
        %mul3A_537 = arith.mulf %mul3A_536, %add3A_534 : vector<16xf32>
        %sub3A_538 = arith.subf %get3A_527, %mul3A_537 : vector<16xf32>
        %eq3A_539 = arith.cmpi eq, %add3A_529, %broadcast_in_dim3A_50 : vector<16xi32>
        %jit3A_540 = arith.constant 3.000000e+38 : f32
        %broadcast_in_dim3A_541 = vector.broadcast %jit3A_540 : f32 to vector<16xf32>
        %select_n3A_542 = arith.select %eq3A_539, %broadcast_in_dim3A_541, %sub3A_538 : vector<16xi1>, vector<16xf32>
        %masked_sort3A = arith.constant dense<true> : vector<16xi1>
        %masked_sort3A_543, %masked_sort3A_544, %masked_sort3A_545 = tpu.sort %select_n3A_542, %add3A_529 masked %masked_sort3A {descending = true} : (vector<16xf32>, vector<16xi32>, vector<16xi1>) -> (vector<16xi1>, vector<16xf32>, vector<16xi32>)
        %le3A = arith.cmpf ole, %scan3A_511, %masked_sort3A_544 : vector<16xf32>
        %select_n3A_546 = arith.select %le3A, %scan3A_511, %masked_sort3A_544 : vector<16xi1>, vector<16xf32>
        %select_n3A_547 = arith.select %le3A, %scan3A_512, %masked_sort3A_545 : vector<16xi1>, vector<16xi32>
        %masked_sort3A_548 = arith.constant dense<true> : vector<16xi1>
        %masked_sort3A_549, %masked_sort3A_550, %masked_sort3A_551 = tpu.sort %select_n3A_546, %select_n3A_547 masked %masked_sort3A_548 : (vector<16xf32>, vector<16xi32>, vector<16xi1>) -> (vector<16xi1>, vector<16xf32>, vector<16xi32>)
        %mul3A_552 = arith.mulf %gather3A_62, %get3A_521 : vector<16xf32>
        %mul3A_553 = arith.mulf %gather3A_63, %get3A_523 : vector<16xf32>
        %add3A_554 = arith.addf %mul3A_552, %mul3A_553 : vector<16xf32>
        %mul3A_555 = arith.mulf %gather3A_64, %get3A_525 : vector<16xf32>
        %add3A_556 = arith.addf %add3A_554, %mul3A_555 : vector<16xf32>
        %mul3A_557 = arith.constant 2.000000e+00 : f32
        %mul3A_558 = vector.broadcast %mul3A_557 : f32 to vector<16xf32>
        %mul3A_559 = arith.mulf %mul3A_558, %add3A_556 : vector<16xf32>
        %sub3A_560 = arith.subf %get3A_527, %mul3A_559 : vector<16xf32>
        %eq3A_561 = arith.cmpi eq, %add3A_529, %add3A_53 : vector<16xi32>
        %jit3A_562 = arith.constant 3.000000e+38 : f32
        %broadcast_in_dim3A_563 = vector.broadcast %jit3A_562 : f32 to vector<16xf32>
        %select_n3A_564 = arith.select %eq3A_561, %broadcast_in_dim3A_563, %sub3A_560 : vector<16xi1>, vector<16xf32>
        %masked_sort3A_565 = arith.constant dense<true> : vector<16xi1>
        %masked_sort3A_566, %masked_sort3A_567, %masked_sort3A_568 = tpu.sort %select_n3A_564, %add3A_529 masked %masked_sort3A_565 {descending = true} : (vector<16xf32>, vector<16xi32>, vector<16xi1>) -> (vector<16xi1>, vector<16xf32>, vector<16xi32>)
        %le3A_569 = arith.cmpf ole, %scan3A_513, %masked_sort3A_567 : vector<16xf32>
        %select_n3A_570 = arith.select %le3A_569, %scan3A_513, %masked_sort3A_567 : vector<16xi1>, vector<16xf32>
        %select_n3A_571 = arith.select %le3A_569, %scan3A_514, %masked_sort3A_568 : vector<16xi1>, vector<16xi32>
        %masked_sort3A_572 = arith.constant dense<true> : vector<16xi1>
        %masked_sort3A_573, %masked_sort3A_574, %masked_sort3A_575 = tpu.sort %select_n3A_570, %select_n3A_571 masked %masked_sort3A_572 : (vector<16xf32>, vector<16xi32>, vector<16xi1>) -> (vector<16xi1>, vector<16xf32>, vector<16xi32>)
        %mul3A_576 = arith.mulf %gather3A_65, %get3A_521 : vector<16xf32>
        %mul3A_577 = arith.mulf %gather3A_66, %get3A_523 : vector<16xf32>
        %add3A_578 = arith.addf %mul3A_576, %mul3A_577 : vector<16xf32>
        %mul3A_579 = arith.mulf %gather3A_67, %get3A_525 : vector<16xf32>
        %add3A_580 = arith.addf %add3A_578, %mul3A_579 : vector<16xf32>
        %mul3A_581 = arith.constant 2.000000e+00 : f32
        %mul3A_582 = vector.broadcast %mul3A_581 : f32 to vector<16xf32>
        %mul3A_583 = arith.mulf %mul3A_582, %add3A_580 : vector<16xf32>
        %sub3A_584 = arith.subf %get3A_527, %mul3A_583 : vector<16xf32>
        %eq3A_585 = arith.cmpi eq, %add3A_529, %add3A_56 : vector<16xi32>
        %jit3A_586 = arith.constant 3.000000e+38 : f32
        %broadcast_in_dim3A_587 = vector.broadcast %jit3A_586 : f32 to vector<16xf32>
        %select_n3A_588 = arith.select %eq3A_585, %broadcast_in_dim3A_587, %sub3A_584 : vector<16xi1>, vector<16xf32>
        %masked_sort3A_589 = arith.constant dense<true> : vector<16xi1>
        %masked_sort3A_590, %masked_sort3A_591, %masked_sort3A_592 = tpu.sort %select_n3A_588, %add3A_529 masked %masked_sort3A_589 {descending = true} : (vector<16xf32>, vector<16xi32>, vector<16xi1>) -> (vector<16xi1>, vector<16xf32>, vector<16xi32>)
        %le3A_593 = arith.cmpf ole, %scan3A_515, %masked_sort3A_591 : vector<16xf32>
        %select_n3A_594 = arith.select %le3A_593, %scan3A_515, %masked_sort3A_591 : vector<16xi1>, vector<16xf32>
        %select_n3A_595 = arith.select %le3A_593, %scan3A_516, %masked_sort3A_592 : vector<16xi1>, vector<16xi32>
        %masked_sort3A_596 = arith.constant dense<true> : vector<16xi1>
        %masked_sort3A_597, %masked_sort3A_598, %masked_sort3A_599 = tpu.sort %select_n3A_594, %select_n3A_595 masked %masked_sort3A_596 : (vector<16xf32>, vector<16xi32>, vector<16xi1>) -> (vector<16xi1>, vector<16xf32>, vector<16xi32>)
        %mul3A_600 = arith.mulf %gather3A_68, %get3A_521 : vector<16xf32>
        %mul3A_601 = arith.mulf %gather3A_69, %get3A_523 : vector<16xf32>
        %add3A_602 = arith.addf %mul3A_600, %mul3A_601 : vector<16xf32>
        %mul3A_603 = arith.mulf %gather3A_70, %get3A_525 : vector<16xf32>
        %add3A_604 = arith.addf %add3A_602, %mul3A_603 : vector<16xf32>
        %mul3A_605 = arith.constant 2.000000e+00 : f32
        %mul3A_606 = vector.broadcast %mul3A_605 : f32 to vector<16xf32>
        %mul3A_607 = arith.mulf %mul3A_606, %add3A_604 : vector<16xf32>
        %sub3A_608 = arith.subf %get3A_527, %mul3A_607 : vector<16xf32>
        %eq3A_609 = arith.cmpi eq, %add3A_529, %add3A_59 : vector<16xi32>
        %jit3A_610 = arith.constant 3.000000e+38 : f32
        %broadcast_in_dim3A_611 = vector.broadcast %jit3A_610 : f32 to vector<16xf32>
        %select_n3A_612 = arith.select %eq3A_609, %broadcast_in_dim3A_611, %sub3A_608 : vector<16xi1>, vector<16xf32>
        %masked_sort3A_613 = arith.constant dense<true> : vector<16xi1>
        %masked_sort3A_614, %masked_sort3A_615, %masked_sort3A_616 = tpu.sort %select_n3A_612, %add3A_529 masked %masked_sort3A_613 {descending = true} : (vector<16xf32>, vector<16xi32>, vector<16xi1>) -> (vector<16xi1>, vector<16xf32>, vector<16xi32>)
        %le3A_617 = arith.cmpf ole, %scan3A_517, %masked_sort3A_615 : vector<16xf32>
        %select_n3A_618 = arith.select %le3A_617, %scan3A_517, %masked_sort3A_615 : vector<16xi1>, vector<16xf32>
        %select_n3A_619 = arith.select %le3A_617, %scan3A_518, %masked_sort3A_616 : vector<16xi1>, vector<16xi32>
        %masked_sort3A_620 = arith.constant dense<true> : vector<16xi1>
        %masked_sort3A_621, %masked_sort3A_622, %masked_sort3A_623 = tpu.sort %select_n3A_618, %select_n3A_619 masked %masked_sort3A_620 : (vector<16xf32>, vector<16xi32>, vector<16xi1>) -> (vector<16xi1>, vector<16xf32>, vector<16xi32>)
        scf.yield %masked_sort3A_550, %masked_sort3A_551, %masked_sort3A_574, %masked_sort3A_575, %masked_sort3A_598, %masked_sort3A_599, %masked_sort3A_622, %masked_sort3A_623 : vector<16xf32>, vector<16xi32>, vector<16xf32>, vector<16xi32>, vector<16xf32>, vector<16xi32>, vector<16xf32>, vector<16xi32>
      }
      %scan3A_80 = arith.constant 16 : i32
      %reduce_max3A = arith.constant true
      %reduce_max3A_81 = vector.broadcast %reduce_max3A : i1 to vector<16xi1>
      %reduce_max3A_82 = tpu.scan <max>, %scan3A_79#0 masked %reduce_max3A_81 : vector<16xf32>, vector<16xi1> -> vector<16xf32>
      %reduce_max3A_83 = vector.extract %reduce_max3A_82[15] : f32 from vector<16xf32>
      %reduce_max3A_84 = arith.constant true
      %reduce_max3A_85 = vector.broadcast %reduce_max3A_84 : i1 to vector<16xi1>
      %reduce_max3A_86 = tpu.scan <max>, %scan3A_79#2 masked %reduce_max3A_85 : vector<16xf32>, vector<16xi1> -> vector<16xf32>
      %reduce_max3A_87 = vector.extract %reduce_max3A_86[15] : f32 from vector<16xf32>
      %reduce_max3A_88 = arith.constant true
      %reduce_max3A_89 = vector.broadcast %reduce_max3A_88 : i1 to vector<16xi1>
      %reduce_max3A_90 = tpu.scan <max>, %scan3A_79#4 masked %reduce_max3A_89 : vector<16xf32>, vector<16xi1> -> vector<16xf32>
      %reduce_max3A_91 = vector.extract %reduce_max3A_90[15] : f32 from vector<16xf32>
      %reduce_max3A_92 = arith.constant true
      %reduce_max3A_93 = vector.broadcast %reduce_max3A_92 : i1 to vector<16xi1>
      %reduce_max3A_94 = tpu.scan <max>, %scan3A_79#6 masked %reduce_max3A_93 : vector<16xf32>, vector<16xi1> -> vector<16xf32>
      %reduce_max3A_95 = vector.extract %reduce_max3A_94[15] : f32 from vector<16xf32>
      %parallel_loop3A_96 = arith.constant 16 : i32
      %parallel_loop3A_97 = arith.constant 256 : i32
      %parallel_loop3A_98 = arith.constant 1 : i32
      %parallel_loop3A_99 = arith.constant 0 : i32
      %parallel_loop3A_100 = arith.constant 0 : i32
      %parallel_loop3A_101 = arith.constant 0 : i32
      %parallel_loop3A_102 = arith.constant 0 : i32
      %parallel_loop3A_103:4 = scf.for %parallel_loop3A_510 = %parallel_loop3A_96 to %parallel_loop3A_97 step %parallel_loop3A_98 iter_args(%parallel_loop3A_511 = %parallel_loop3A_99, %parallel_loop3A_512 = %parallel_loop3A_100, %parallel_loop3A_513 = %parallel_loop3A_101, %parallel_loop3A_514 = %parallel_loop3A_102) -> (i32, i32, i32, i32)  : i32 {
        %parallel_loop3A_515 = arith.constant 16 : i32
        %parallel_loop3A_516 = arith.muli %parallel_loop3A_510, %parallel_loop3A_515 : i32
        %parallel_loop3A_517 = arith.index_cast %parallel_loop3A_516 : i32 to index
        %parallel_loop3A_518 = tpu.vector_load %arg9[%parallel_loop3A_517] {strides = array<i32>} : memref<4096xf32, #tpu.memory_space<vmem>>, vector<16xf32>,
        %parallel_loop3A_519 = arith.index_cast %parallel_loop3A_516 : i32 to index
        %parallel_loop3A_520 = tpu.vector_load %arg10[%parallel_loop3A_519] {strides = array<i32>} : memref<4096xf32, #tpu.memory_space<vmem>>, vector<16xf32>,
        %parallel_loop3A_521 = arith.index_cast %parallel_loop3A_516 : i32 to index
        %parallel_loop3A_522 = tpu.vector_load %arg11[%parallel_loop3A_521] {strides = array<i32>} : memref<4096xf32, #tpu.memory_space<vmem>>, vector<16xf32>,
        %parallel_loop3A_523 = arith.index_cast %parallel_loop3A_516 : i32 to index
        %parallel_loop3A_524 = tpu.vector_load %arg15[%parallel_loop3A_523] {strides = array<i32>} : memref<4096xf32, #tpu.memory_space<vmem>>, vector<16xf32>,
        %parallel_loop3A_525 = vector.broadcast %parallel_loop3A_516 : i32 to vector<16xi32>
        %parallel_loop3A_526 = arith.addi %iota3A, %parallel_loop3A_525 : vector<16xi32>
        %parallel_loop3A_527 = arith.mulf %gather3A, %parallel_loop3A_518 : vector<16xf32>
        %parallel_loop3A_528 = arith.mulf %gather3A_60, %parallel_loop3A_520 : vector<16xf32>
        %parallel_loop3A_529 = arith.addf %parallel_loop3A_527, %parallel_loop3A_528 : vector<16xf32>
        %parallel_loop3A_530 = arith.mulf %gather3A_61, %parallel_loop3A_522 : vector<16xf32>
        %parallel_loop3A_531 = arith.addf %parallel_loop3A_529, %parallel_loop3A_530 : vector<16xf32>
        %parallel_loop3A_532 = arith.constant 2.000000e+00 : f32
        %parallel_loop3A_533 = vector.broadcast %parallel_loop3A_532 : f32 to vector<16xf32>
        %parallel_loop3A_534 = arith.mulf %parallel_loop3A_533, %parallel_loop3A_531 : vector<16xf32>
        %parallel_loop3A_535 = arith.subf %parallel_loop3A_524, %parallel_loop3A_534 : vector<16xf32>
        %parallel_loop3A_536 = vector.broadcast %reduce_max3A_83 : f32 to vector<16xf32>
        %parallel_loop3A_537 = arith.cmpf olt, %parallel_loop3A_535, %parallel_loop3A_536 : vector<16xf32>
        %parallel_loop3A_538 = arith.index_cast %parallel_loop3A_511 : i32 to index
        %parallel_loop3A_539 = tpu.vector_load %arg16[%parallel_loop3A_538] masked %parallel_loop3A_537 {strides = array<i32>} : memref<4112xi32, #tpu.memory_space<vmem>>, vector<16xi32>, vector<16xi1>
        tpu.vector_store %arg16[%parallel_loop3A_538], %parallel_loop3A_526 masked %parallel_loop3A_537 {strides = array<i32>} : memref<4112xi32, #tpu.memory_space<vmem>>, vector<16xi32>, vector<16xi1>
        %parallel_loop3A_540 = tpu.all_reduce %parallel_loop3A_537 {dim = 0 : i64, kind = #tpu.reduction_kind<sum>} : vector<16xi1> -> vector<16xi32>
        %parallel_loop3A_541 = vector.extract_strided_slice %parallel_loop3A_540 {offsets = [0], sizes = [1], strides = [1]} : vector<16xi32> to vector<1xi32>
        %parallel_loop3A_542 = vector.extract %parallel_loop3A_541[0] : i32 from vector<1xi32>
        %parallel_loop3A_543 = arith.addi %parallel_loop3A_511, %parallel_loop3A_542 : i32
        %parallel_loop3A_544 = arith.mulf %gather3A_62, %parallel_loop3A_518 : vector<16xf32>
        %parallel_loop3A_545 = arith.mulf %gather3A_63, %parallel_loop3A_520 : vector<16xf32>
        %parallel_loop3A_546 = arith.addf %parallel_loop3A_544, %parallel_loop3A_545 : vector<16xf32>
        %parallel_loop3A_547 = arith.mulf %gather3A_64, %parallel_loop3A_522 : vector<16xf32>
        %parallel_loop3A_548 = arith.addf %parallel_loop3A_546, %parallel_loop3A_547 : vector<16xf32>
        %parallel_loop3A_549 = arith.constant 2.000000e+00 : f32
        %parallel_loop3A_550 = vector.broadcast %parallel_loop3A_549 : f32 to vector<16xf32>
        %parallel_loop3A_551 = arith.mulf %parallel_loop3A_550, %parallel_loop3A_548 : vector<16xf32>
        %parallel_loop3A_552 = arith.subf %parallel_loop3A_524, %parallel_loop3A_551 : vector<16xf32>
        %parallel_loop3A_553 = vector.broadcast %reduce_max3A_87 : f32 to vector<16xf32>
        %parallel_loop3A_554 = arith.cmpf olt, %parallel_loop3A_552, %parallel_loop3A_553 : vector<16xf32>
        %parallel_loop3A_555 = arith.index_cast %parallel_loop3A_512 : i32 to index
        %parallel_loop3A_556 = tpu.vector_load %arg17[%parallel_loop3A_555] masked %parallel_loop3A_554 {strides = array<i32>} : memref<4112xi32, #tpu.memory_space<vmem>>, vector<16xi32>, vector<16xi1>
        tpu.vector_store %arg17[%parallel_loop3A_555], %parallel_loop3A_526 masked %parallel_loop3A_554 {strides = array<i32>} : memref<4112xi32, #tpu.memory_space<vmem>>, vector<16xi32>, vector<16xi1>
        %parallel_loop3A_557 = tpu.all_reduce %parallel_loop3A_554 {dim = 0 : i64, kind = #tpu.reduction_kind<sum>} : vector<16xi1> -> vector<16xi32>
        %parallel_loop3A_558 = vector.extract_strided_slice %parallel_loop3A_557 {offsets = [0], sizes = [1], strides = [1]} : vector<16xi32> to vector<1xi32>
        %parallel_loop3A_559 = vector.extract %parallel_loop3A_558[0] : i32 from vector<1xi32>
        %parallel_loop3A_560 = arith.addi %parallel_loop3A_512, %parallel_loop3A_559 : i32
        %parallel_loop3A_561 = arith.mulf %gather3A_65, %parallel_loop3A_518 : vector<16xf32>
        %parallel_loop3A_562 = arith.mulf %gather3A_66, %parallel_loop3A_520 : vector<16xf32>
        %parallel_loop3A_563 = arith.addf %parallel_loop3A_561, %parallel_loop3A_562 : vector<16xf32>
        %parallel_loop3A_564 = arith.mulf %gather3A_67, %parallel_loop3A_522 : vector<16xf32>
        %parallel_loop3A_565 = arith.addf %parallel_loop3A_563, %parallel_loop3A_564 : vector<16xf32>
        %parallel_loop3A_566 = arith.constant 2.000000e+00 : f32
        %parallel_loop3A_567 = vector.broadcast %parallel_loop3A_566 : f32 to vector<16xf32>
        %parallel_loop3A_568 = arith.mulf %parallel_loop3A_567, %parallel_loop3A_565 : vector<16xf32>
        %parallel_loop3A_569 = arith.subf %parallel_loop3A_524, %parallel_loop3A_568 : vector<16xf32>
        %parallel_loop3A_570 = vector.broadcast %reduce_max3A_91 : f32 to vector<16xf32>
        %parallel_loop3A_571 = arith.cmpf olt, %parallel_loop3A_569, %parallel_loop3A_570 : vector<16xf32>
        %parallel_loop3A_572 = arith.index_cast %parallel_loop3A_513 : i32 to index
        %parallel_loop3A_573 = tpu.vector_load %arg18[%parallel_loop3A_572] masked %parallel_loop3A_571 {strides = array<i32>} : memref<4112xi32, #tpu.memory_space<vmem>>, vector<16xi32>, vector<16xi1>
        tpu.vector_store %arg18[%parallel_loop3A_572], %parallel_loop3A_526 masked %parallel_loop3A_571 {strides = array<i32>} : memref<4112xi32, #tpu.memory_space<vmem>>, vector<16xi32>, vector<16xi1>
        %parallel_loop3A_574 = tpu.all_reduce %parallel_loop3A_571 {dim = 0 : i64, kind = #tpu.reduction_kind<sum>} : vector<16xi1> -> vector<16xi32>
        %parallel_loop3A_575 = vector.extract_strided_slice %parallel_loop3A_574 {offsets = [0], sizes = [1], strides = [1]} : vector<16xi32> to vector<1xi32>
        %parallel_loop3A_576 = vector.extract %parallel_loop3A_575[0] : i32 from vector<1xi32>
        %parallel_loop3A_577 = arith.addi %parallel_loop3A_513, %parallel_loop3A_576 : i32
        %parallel_loop3A_578 = arith.mulf %gather3A_68, %parallel_loop3A_518 : vector<16xf32>
        %parallel_loop3A_579 = arith.mulf %gather3A_69, %parallel_loop3A_520 : vector<16xf32>
        %parallel_loop3A_580 = arith.addf %parallel_loop3A_578, %parallel_loop3A_579 : vector<16xf32>
        %parallel_loop3A_581 = arith.mulf %gather3A_70, %parallel_loop3A_522 : vector<16xf32>
        %parallel_loop3A_582 = arith.addf %parallel_loop3A_580, %parallel_loop3A_581 : vector<16xf32>
        %parallel_loop3A_583 = arith.constant 2.000000e+00 : f32
        %parallel_loop3A_584 = vector.broadcast %parallel_loop3A_583 : f32 to vector<16xf32>
        %parallel_loop3A_585 = arith.mulf %parallel_loop3A_584, %parallel_loop3A_582 : vector<16xf32>
        %parallel_loop3A_586 = arith.subf %parallel_loop3A_524, %parallel_loop3A_585 : vector<16xf32>
        %parallel_loop3A_587 = vector.broadcast %reduce_max3A_95 : f32 to vector<16xf32>
        %parallel_loop3A_588 = arith.cmpf olt, %parallel_loop3A_586, %parallel_loop3A_587 : vector<16xf32>
        %parallel_loop3A_589 = arith.index_cast %parallel_loop3A_514 : i32 to index
        %parallel_loop3A_590 = tpu.vector_load %arg19[%parallel_loop3A_589] masked %parallel_loop3A_588 {strides = array<i32>} : memref<4112xi32, #tpu.memory_space<vmem>>, vector<16xi32>, vector<16xi1>
        tpu.vector_store %arg19[%parallel_loop3A_589], %parallel_loop3A_526 masked %parallel_loop3A_588 {strides = array<i32>} : memref<4112xi32, #tpu.memory_space<vmem>>, vector<16xi32>, vector<16xi1>
        %parallel_loop3A_591 = tpu.all_reduce %parallel_loop3A_588 {dim = 0 : i64, kind = #tpu.reduction_kind<sum>} : vector<16xi1> -> vector<16xi32>
        %parallel_loop3A_592 = vector.extract_strided_slice %parallel_loop3A_591 {offsets = [0], sizes = [1], strides = [1]} : vector<16xi32> to vector<1xi32>
        %parallel_loop3A_593 = vector.extract %parallel_loop3A_592[0] : i32 from vector<1xi32>
        %parallel_loop3A_594 = arith.addi %parallel_loop3A_514, %parallel_loop3A_593 : i32
        scf.yield %parallel_loop3A_543, %parallel_loop3A_560, %parallel_loop3A_577, %parallel_loop3A_594 : i32, i32, i32, i32
      } {sc.loop_unroll_factor = 4 : i64, sc.parallel_access}
      %max3A = arith.maxsi %parallel_loop3A_103#0, %parallel_loop3A_103#1 : i32
      %max3A_104 = arith.maxsi %parallel_loop3A_103#2, %parallel_loop3A_103#3 : i32
      %max3A_105 = arith.maxsi %max3A, %max3A_104 : i32
      %add3A_106 = arith.constant 16 : i32
      %add3A_107 = arith.addi %max3A_105, %add3A_106 : i32
      %sub3A_108 = arith.constant 1 : i32
      %sub3A_109 = arith.subi %add3A_107, %sub3A_108 : i32
      %jit3A_110 = arith.constant 16 : i32
      %div3A_111 = arith.divsi %sub3A_109, %jit3A_110 : i32
      %sign3A_112 = arith.constant 0 : i32
      %sign3A_113 = arith.cmpi sgt, %sub3A_109, %sign3A_112 : i32
      %sign3A_114 = arith.extui %sign3A_113 : i1 to i32
      %sign3A_115 = arith.constant 0 : i32
      %sign3A_116 = arith.cmpi slt, %sub3A_109, %sign3A_115 : i32
      %sign3A_117 = arith.extui %sign3A_116 : i1 to i32
      %sign3A_118 = arith.subi %sign3A_114, %sign3A_117 : i32
      %sign3A_119 = arith.constant 0 : i32
      %sign3A_120 = arith.cmpi sgt, %jit3A_110, %sign3A_119 : i32
      %sign3A_121 = arith.extui %sign3A_120 : i1 to i32
      %sign3A_122 = arith.constant 0 : i32
      %sign3A_123 = arith.cmpi slt, %jit3A_110, %sign3A_122 : i32
      %sign3A_124 = arith.extui %sign3A_123 : i1 to i32
      %sign3A_125 = arith.subi %sign3A_121, %sign3A_124 : i32
      %ne3A_126 = arith.cmpi ne, %sign3A_118, %sign3A_125 : i32
      %rem3A_127 = arith.remsi %sub3A_109, %jit3A_110 : i32
      %ne3A_128 = arith.constant 0 : i32
      %ne3A_129 = arith.cmpi ne, %rem3A_127, %ne3A_128 : i32
      %and3A_130 = arith.andi %ne3A_126, %ne3A_129 : i1
      %sub3A_131 = arith.constant 1 : i32
      %sub3A_132 = arith.subi %div3A_111, %sub3A_131 : i32
      %select_n3A_133 = arith.select %and3A_130, %sub3A_132, %div3A_111 : i32
      %while3A = arith.constant 0 : i32
      %while3A_134 = arith.subi %select_n3A_133, %while3A : i32
      %while3A_135 = arith.addi %while3A, %while3A_134 : i32
      %while3A_136 = arith.constant 1 : i32
      %while3A_137 = arith.divsi %while3A_134, %while3A_136 : i32
      %while3A_138 = arith.muli %while3A_137, %while3A_136 : i32
      %while3A_139 = arith.addi %while3A, %while3A_138 : i32
      %while3A_140 = arith.constant 1 : i32
      %while3A_141:8 = scf.for %while3A_510 = %while3A to %while3A_139 step %while3A_140 iter_args(%while3A_511 = %scan3A_79#0, %while3A_512 = %scan3A_79#1, %while3A_513 = %scan3A_79#2, %while3A_514 = %scan3A_79#3, %while3A_515 = %scan3A_79#4, %while3A_516 = %scan3A_79#5, %while3A_517 = %scan3A_79#6, %while3A_518 = %scan3A_79#7) -> (vector<16xf32>, vector<16xi32>, vector<16xf32>, vector<16xi32>, vector<16xf32>, vector<16xi32>, vector<16xf32>, vector<16xi32>)  : i32 {
        %mul3A_519 = arith.constant 16 : i32
        %mul3A_520 = arith.muli %while3A_510, %mul3A_519 : i32
        %add3A_521 = vector.broadcast %mul3A_520 : i32 to vector<16xi32>
        %add3A_522 = arith.addi %iota3A, %add3A_521 : vector<16xi32>
        %lt3A_523 = vector.broadcast %parallel_loop3A_103#0 : i32 to vector<16xi32>
        %lt3A_524 = arith.cmpi slt, %add3A_522, %lt3A_523 : vector<16xi32>
        %get3A = arith.index_cast %mul3A_520 : i32 to index
        %get3A_525 = tpu.vector_load %arg16[%get3A] {strides = array<i32>} : memref<4112xi32, #tpu.memory_space<vmem>>, vector<16xi32>,
        %gather3A_526 = tpu.vector_load_idx %arg9[%get3A_525] masked %lt3A_524 : memref<4096xf32, #tpu.memory_space<vmem>>[vector<16xi32>], vector<16xf32>, vector<16xi1>
        %gather3A_527 = tpu.vector_load_idx %arg10[%get3A_525] masked %lt3A_524 : memref<4096xf32, #tpu.memory_space<vmem>>[vector<16xi32>], vector<16xf32>, vector<16xi1>
        %gather3A_528 = tpu.vector_load_idx %arg11[%get3A_525] masked %lt3A_524 : memref<4096xf32, #tpu.memory_space<vmem>>[vector<16xi32>], vector<16xf32>, vector<16xi1>
        %gather3A_529 = tpu.vector_load_idx %arg15[%get3A_525] masked %lt3A_524 : memref<4096xf32, #tpu.memory_space<vmem>>[vector<16xi32>], vector<16xf32>, vector<16xi1>
        %mul3A_530 = arith.mulf %gather3A, %gather3A_526 : vector<16xf32>
        %mul3A_531 = arith.mulf %gather3A_60, %gather3A_527 : vector<16xf32>
        %add3A_532 = arith.addf %mul3A_530, %mul3A_531 : vector<16xf32>
        %mul3A_533 = arith.mulf %gather3A_61, %gather3A_528 : vector<16xf32>
        %add3A_534 = arith.addf %add3A_532, %mul3A_533 : vector<16xf32>
        %mul3A_535 = arith.constant 2.000000e+00 : f32
        %mul3A_536 = vector.broadcast %mul3A_535 : f32 to vector<16xf32>
        %mul3A_537 = arith.mulf %mul3A_536, %add3A_534 : vector<16xf32>
        %sub3A_538 = arith.subf %gather3A_529, %mul3A_537 : vector<16xf32>
        %jit3A_539 = arith.constant 3.000000e+38 : f32
        %broadcast_in_dim3A_540 = vector.broadcast %jit3A_539 : f32 to vector<16xf32>
        %select_n3A_541 = arith.select %lt3A_524, %sub3A_538, %broadcast_in_dim3A_540 : vector<16xi1>, vector<16xf32>
        %eq3A_542 = arith.cmpi eq, %get3A_525, %broadcast_in_dim3A_50 : vector<16xi32>
        %jit3A_543 = arith.constant 3.000000e+38 : f32
        %broadcast_in_dim3A_544 = vector.broadcast %jit3A_543 : f32 to vector<16xf32>
        %select_n3A_545 = arith.select %eq3A_542, %broadcast_in_dim3A_544, %select_n3A_541 : vector<16xi1>, vector<16xf32>
        %masked_sort3A = arith.constant dense<true> : vector<16xi1>
        %masked_sort3A_546, %masked_sort3A_547, %masked_sort3A_548 = tpu.sort %select_n3A_545, %get3A_525 masked %masked_sort3A {descending = true} : (vector<16xf32>, vector<16xi32>, vector<16xi1>) -> (vector<16xi1>, vector<16xf32>, vector<16xi32>)
        %le3A = arith.cmpf ole, %while3A_511, %masked_sort3A_547 : vector<16xf32>
        %select_n3A_549 = arith.select %le3A, %while3A_511, %masked_sort3A_547 : vector<16xi1>, vector<16xf32>
        %select_n3A_550 = arith.select %le3A, %while3A_512, %masked_sort3A_548 : vector<16xi1>, vector<16xi32>
        %masked_sort3A_551 = arith.constant dense<true> : vector<16xi1>
        %masked_sort3A_552, %masked_sort3A_553, %masked_sort3A_554 = tpu.sort %select_n3A_549, %select_n3A_550 masked %masked_sort3A_551 : (vector<16xf32>, vector<16xi32>, vector<16xi1>) -> (vector<16xi1>, vector<16xf32>, vector<16xi32>)
        %add3A_555 = vector.broadcast %mul3A_520 : i32 to vector<16xi32>
        %add3A_556 = arith.addi %iota3A, %add3A_555 : vector<16xi32>
        %lt3A_557 = vector.broadcast %parallel_loop3A_103#1 : i32 to vector<16xi32>
        %lt3A_558 = arith.cmpi slt, %add3A_556, %lt3A_557 : vector<16xi32>
        %get3A_559 = arith.index_cast %mul3A_520 : i32 to index
        %get3A_560 = tpu.vector_load %arg17[%get3A_559] {strides = array<i32>} : memref<4112xi32, #tpu.memory_space<vmem>>, vector<16xi32>,
        %gather3A_561 = tpu.vector_load_idx %arg9[%get3A_560] masked %lt3A_558 : memref<4096xf32, #tpu.memory_space<vmem>>[vector<16xi32>], vector<16xf32>, vector<16xi1>
        %gather3A_562 = tpu.vector_load_idx %arg10[%get3A_560] masked %lt3A_558 : memref<4096xf32, #tpu.memory_space<vmem>>[vector<16xi32>], vector<16xf32>, vector<16xi1>
        %gather3A_563 = tpu.vector_load_idx %arg11[%get3A_560] masked %lt3A_558 : memref<4096xf32, #tpu.memory_space<vmem>>[vector<16xi32>], vector<16xf32>, vector<16xi1>
        %gather3A_564 = tpu.vector_load_idx %arg15[%get3A_560] masked %lt3A_558 : memref<4096xf32, #tpu.memory_space<vmem>>[vector<16xi32>], vector<16xf32>, vector<16xi1>
        %mul3A_565 = arith.mulf %gather3A_62, %gather3A_561 : vector<16xf32>
        %mul3A_566 = arith.mulf %gather3A_63, %gather3A_562 : vector<16xf32>
        %add3A_567 = arith.addf %mul3A_565, %mul3A_566 : vector<16xf32>
        %mul3A_568 = arith.mulf %gather3A_64, %gather3A_563 : vector<16xf32>
        %add3A_569 = arith.addf %add3A_567, %mul3A_568 : vector<16xf32>
        %mul3A_570 = arith.constant 2.000000e+00 : f32
        %mul3A_571 = vector.broadcast %mul3A_570 : f32 to vector<16xf32>
        %mul3A_572 = arith.mulf %mul3A_571, %add3A_569 : vector<16xf32>
        %sub3A_573 = arith.subf %gather3A_564, %mul3A_572 : vector<16xf32>
        %jit3A_574 = arith.constant 3.000000e+38 : f32
        %broadcast_in_dim3A_575 = vector.broadcast %jit3A_574 : f32 to vector<16xf32>
        %select_n3A_576 = arith.select %lt3A_558, %sub3A_573, %broadcast_in_dim3A_575 : vector<16xi1>, vector<16xf32>
        %eq3A_577 = arith.cmpi eq, %get3A_560, %add3A_53 : vector<16xi32>
        %jit3A_578 = arith.constant 3.000000e+38 : f32
        %broadcast_in_dim3A_579 = vector.broadcast %jit3A_578 : f32 to vector<16xf32>
        %select_n3A_580 = arith.select %eq3A_577, %broadcast_in_dim3A_579, %select_n3A_576 : vector<16xi1>, vector<16xf32>
        %masked_sort3A_581 = arith.constant dense<true> : vector<16xi1>
        %masked_sort3A_582, %masked_sort3A_583, %masked_sort3A_584 = tpu.sort %select_n3A_580, %get3A_560 masked %masked_sort3A_581 {descending = true} : (vector<16xf32>, vector<16xi32>, vector<16xi1>) -> (vector<16xi1>, vector<16xf32>, vector<16xi32>)
        %le3A_585 = arith.cmpf ole, %while3A_513, %masked_sort3A_583 : vector<16xf32>
        %select_n3A_586 = arith.select %le3A_585, %while3A_513, %masked_sort3A_583 : vector<16xi1>, vector<16xf32>
        %select_n3A_587 = arith.select %le3A_585, %while3A_514, %masked_sort3A_584 : vector<16xi1>, vector<16xi32>
        %masked_sort3A_588 = arith.constant dense<true> : vector<16xi1>
        %masked_sort3A_589, %masked_sort3A_590, %masked_sort3A_591 = tpu.sort %select_n3A_586, %select_n3A_587 masked %masked_sort3A_588 : (vector<16xf32>, vector<16xi32>, vector<16xi1>) -> (vector<16xi1>, vector<16xf32>, vector<16xi32>)
        %add3A_592 = vector.broadcast %mul3A_520 : i32 to vector<16xi32>
        %add3A_593 = arith.addi %iota3A, %add3A_592 : vector<16xi32>
        %lt3A_594 = vector.broadcast %parallel_loop3A_103#2 : i32 to vector<16xi32>
        %lt3A_595 = arith.cmpi slt, %add3A_593, %lt3A_594 : vector<16xi32>
        %get3A_596 = arith.index_cast %mul3A_520 : i32 to index
        %get3A_597 = tpu.vector_load %arg18[%get3A_596] {strides = array<i32>} : memref<4112xi32, #tpu.memory_space<vmem>>, vector<16xi32>,
        %gather3A_598 = tpu.vector_load_idx %arg9[%get3A_597] masked %lt3A_595 : memref<4096xf32, #tpu.memory_space<vmem>>[vector<16xi32>], vector<16xf32>, vector<16xi1>
        %gather3A_599 = tpu.vector_load_idx %arg10[%get3A_597] masked %lt3A_595 : memref<4096xf32, #tpu.memory_space<vmem>>[vector<16xi32>], vector<16xf32>, vector<16xi1>
        %gather3A_600 = tpu.vector_load_idx %arg11[%get3A_597] masked %lt3A_595 : memref<4096xf32, #tpu.memory_space<vmem>>[vector<16xi32>], vector<16xf32>, vector<16xi1>
        %gather3A_601 = tpu.vector_load_idx %arg15[%get3A_597] masked %lt3A_595 : memref<4096xf32, #tpu.memory_space<vmem>>[vector<16xi32>], vector<16xf32>, vector<16xi1>
        %mul3A_602 = arith.mulf %gather3A_65, %gather3A_598 : vector<16xf32>
        %mul3A_603 = arith.mulf %gather3A_66, %gather3A_599 : vector<16xf32>
        %add3A_604 = arith.addf %mul3A_602, %mul3A_603 : vector<16xf32>
        %mul3A_605 = arith.mulf %gather3A_67, %gather3A_600 : vector<16xf32>
        %add3A_606 = arith.addf %add3A_604, %mul3A_605 : vector<16xf32>
        %mul3A_607 = arith.constant 2.000000e+00 : f32
        %mul3A_608 = vector.broadcast %mul3A_607 : f32 to vector<16xf32>
        %mul3A_609 = arith.mulf %mul3A_608, %add3A_606 : vector<16xf32>
        %sub3A_610 = arith.subf %gather3A_601, %mul3A_609 : vector<16xf32>
        %jit3A_611 = arith.constant 3.000000e+38 : f32
        %broadcast_in_dim3A_612 = vector.broadcast %jit3A_611 : f32 to vector<16xf32>
        %select_n3A_613 = arith.select %lt3A_595, %sub3A_610, %broadcast_in_dim3A_612 : vector<16xi1>, vector<16xf32>
        %eq3A_614 = arith.cmpi eq, %get3A_597, %add3A_56 : vector<16xi32>
        %jit3A_615 = arith.constant 3.000000e+38 : f32
        %broadcast_in_dim3A_616 = vector.broadcast %jit3A_615 : f32 to vector<16xf32>
        %select_n3A_617 = arith.select %eq3A_614, %broadcast_in_dim3A_616, %select_n3A_613 : vector<16xi1>, vector<16xf32>
        %masked_sort3A_618 = arith.constant dense<true> : vector<16xi1>
        %masked_sort3A_619, %masked_sort3A_620, %masked_sort3A_621 = tpu.sort %select_n3A_617, %get3A_597 masked %masked_sort3A_618 {descending = true} : (vector<16xf32>, vector<16xi32>, vector<16xi1>) -> (vector<16xi1>, vector<16xf32>, vector<16xi32>)
        %le3A_622 = arith.cmpf ole, %while3A_515, %masked_sort3A_620 : vector<16xf32>
        %select_n3A_623 = arith.select %le3A_622, %while3A_515, %masked_sort3A_620 : vector<16xi1>, vector<16xf32>
        %select_n3A_624 = arith.select %le3A_622, %while3A_516, %masked_sort3A_621 : vector<16xi1>, vector<16xi32>
        %masked_sort3A_625 = arith.constant dense<true> : vector<16xi1>
        %masked_sort3A_626, %masked_sort3A_627, %masked_sort3A_628 = tpu.sort %select_n3A_623, %select_n3A_624 masked %masked_sort3A_625 : (vector<16xf32>, vector<16xi32>, vector<16xi1>) -> (vector<16xi1>, vector<16xf32>, vector<16xi32>)
        %add3A_629 = vector.broadcast %mul3A_520 : i32 to vector<16xi32>
        %add3A_630 = arith.addi %iota3A, %add3A_629 : vector<16xi32>
        %lt3A_631 = vector.broadcast %parallel_loop3A_103#3 : i32 to vector<16xi32>
        %lt3A_632 = arith.cmpi slt, %add3A_630, %lt3A_631 : vector<16xi32>
        %get3A_633 = arith.index_cast %mul3A_520 : i32 to index
        %get3A_634 = tpu.vector_load %arg19[%get3A_633] {strides = array<i32>} : memref<4112xi32, #tpu.memory_space<vmem>>, vector<16xi32>,
        %gather3A_635 = tpu.vector_load_idx %arg9[%get3A_634] masked %lt3A_632 : memref<4096xf32, #tpu.memory_space<vmem>>[vector<16xi32>], vector<16xf32>, vector<16xi1>
        %gather3A_636 = tpu.vector_load_idx %arg10[%get3A_634] masked %lt3A_632 : memref<4096xf32, #tpu.memory_space<vmem>>[vector<16xi32>], vector<16xf32>, vector<16xi1>
        %gather3A_637 = tpu.vector_load_idx %arg11[%get3A_634] masked %lt3A_632 : memref<4096xf32, #tpu.memory_space<vmem>>[vector<16xi32>], vector<16xf32>, vector<16xi1>
        %gather3A_638 = tpu.vector_load_idx %arg15[%get3A_634] masked %lt3A_632 : memref<4096xf32, #tpu.memory_space<vmem>>[vector<16xi32>], vector<16xf32>, vector<16xi1>
        %mul3A_639 = arith.mulf %gather3A_68, %gather3A_635 : vector<16xf32>
        %mul3A_640 = arith.mulf %gather3A_69, %gather3A_636 : vector<16xf32>
        %add3A_641 = arith.addf %mul3A_639, %mul3A_640 : vector<16xf32>
        %mul3A_642 = arith.mulf %gather3A_70, %gather3A_637 : vector<16xf32>
        %add3A_643 = arith.addf %add3A_641, %mul3A_642 : vector<16xf32>
        %mul3A_644 = arith.constant 2.000000e+00 : f32
        %mul3A_645 = vector.broadcast %mul3A_644 : f32 to vector<16xf32>
        %mul3A_646 = arith.mulf %mul3A_645, %add3A_643 : vector<16xf32>
        %sub3A_647 = arith.subf %gather3A_638, %mul3A_646 : vector<16xf32>
        %jit3A_648 = arith.constant 3.000000e+38 : f32
        %broadcast_in_dim3A_649 = vector.broadcast %jit3A_648 : f32 to vector<16xf32>
        %select_n3A_650 = arith.select %lt3A_632, %sub3A_647, %broadcast_in_dim3A_649 : vector<16xi1>, vector<16xf32>
        %eq3A_651 = arith.cmpi eq, %get3A_634, %add3A_59 : vector<16xi32>
        %jit3A_652 = arith.constant 3.000000e+38 : f32
        %broadcast_in_dim3A_653 = vector.broadcast %jit3A_652 : f32 to vector<16xf32>
        %select_n3A_654 = arith.select %eq3A_651, %broadcast_in_dim3A_653, %select_n3A_650 : vector<16xi1>, vector<16xf32>
        %masked_sort3A_655 = arith.constant dense<true> : vector<16xi1>
        %masked_sort3A_656, %masked_sort3A_657, %masked_sort3A_658 = tpu.sort %select_n3A_654, %get3A_634 masked %masked_sort3A_655 {descending = true} : (vector<16xf32>, vector<16xi32>, vector<16xi1>) -> (vector<16xi1>, vector<16xf32>, vector<16xi32>)
        %le3A_659 = arith.cmpf ole, %while3A_517, %masked_sort3A_657 : vector<16xf32>
        %select_n3A_660 = arith.select %le3A_659, %while3A_517, %masked_sort3A_657 : vector<16xi1>, vector<16xf32>
        %select_n3A_661 = arith.select %le3A_659, %while3A_518, %masked_sort3A_658 : vector<16xi1>, vector<16xi32>
        %masked_sort3A_662 = arith.constant dense<true> : vector<16xi1>
        %masked_sort3A_663, %masked_sort3A_664, %masked_sort3A_665 = tpu.sort %select_n3A_660, %select_n3A_661 masked %masked_sort3A_662 : (vector<16xf32>, vector<16xi32>, vector<16xi1>) -> (vector<16xi1>, vector<16xf32>, vector<16xi32>)
        scf.yield %masked_sort3A_553, %masked_sort3A_554, %masked_sort3A_590, %masked_sort3A_591, %masked_sort3A_627, %masked_sort3A_628, %masked_sort3A_664, %masked_sort3A_665 : vector<16xf32>, vector<16xi32>, vector<16xf32>, vector<16xi32>, vector<16xf32>, vector<16xi32>, vector<16xf32>, vector<16xi32>
      }
      %while3A_142 = arith.constant 1 : i32
      %while3A_143:8 = scf.for %while3A_510 = %while3A_139 to %while3A_135 step %while3A_142 iter_args(%while3A_511 = %while3A_141#0, %while3A_512 = %while3A_141#1, %while3A_513 = %while3A_141#2, %while3A_514 = %while3A_141#3, %while3A_515 = %while3A_141#4, %while3A_516 = %while3A_141#5, %while3A_517 = %while3A_141#6, %while3A_518 = %while3A_141#7) -> (vector<16xf32>, vector<16xi32>, vector<16xf32>, vector<16xi32>, vector<16xf32>, vector<16xi32>, vector<16xf32>, vector<16xi32>)  : i32 {
        %mul3A_519 = arith.constant 16 : i32
        %mul3A_520 = arith.muli %while3A_510, %mul3A_519 : i32
        %add3A_521 = vector.broadcast %mul3A_520 : i32 to vector<16xi32>
        %add3A_522 = arith.addi %iota3A, %add3A_521 : vector<16xi32>
        %lt3A_523 = vector.broadcast %parallel_loop3A_103#0 : i32 to vector<16xi32>
        %lt3A_524 = arith.cmpi slt, %add3A_522, %lt3A_523 : vector<16xi32>
        %get3A = arith.index_cast %mul3A_520 : i32 to index
        %get3A_525 = tpu.vector_load %arg16[%get3A] {strides = array<i32>} : memref<4112xi32, #tpu.memory_space<vmem>>, vector<16xi32>,
        %gather3A_526 = tpu.vector_load_idx %arg9[%get3A_525] masked %lt3A_524 : memref<4096xf32, #tpu.memory_space<vmem>>[vector<16xi32>], vector<16xf32>, vector<16xi1>
        %gather3A_527 = tpu.vector_load_idx %arg10[%get3A_525] masked %lt3A_524 : memref<4096xf32, #tpu.memory_space<vmem>>[vector<16xi32>], vector<16xf32>, vector<16xi1>
        %gather3A_528 = tpu.vector_load_idx %arg11[%get3A_525] masked %lt3A_524 : memref<4096xf32, #tpu.memory_space<vmem>>[vector<16xi32>], vector<16xf32>, vector<16xi1>
        %gather3A_529 = tpu.vector_load_idx %arg15[%get3A_525] masked %lt3A_524 : memref<4096xf32, #tpu.memory_space<vmem>>[vector<16xi32>], vector<16xf32>, vector<16xi1>
        %mul3A_530 = arith.mulf %gather3A, %gather3A_526 : vector<16xf32>
        %mul3A_531 = arith.mulf %gather3A_60, %gather3A_527 : vector<16xf32>
        %add3A_532 = arith.addf %mul3A_530, %mul3A_531 : vector<16xf32>
        %mul3A_533 = arith.mulf %gather3A_61, %gather3A_528 : vector<16xf32>
        %add3A_534 = arith.addf %add3A_532, %mul3A_533 : vector<16xf32>
        %mul3A_535 = arith.constant 2.000000e+00 : f32
        %mul3A_536 = vector.broadcast %mul3A_535 : f32 to vector<16xf32>
        %mul3A_537 = arith.mulf %mul3A_536, %add3A_534 : vector<16xf32>
        %sub3A_538 = arith.subf %gather3A_529, %mul3A_537 : vector<16xf32>
        %jit3A_539 = arith.constant 3.000000e+38 : f32
        %broadcast_in_dim3A_540 = vector.broadcast %jit3A_539 : f32 to vector<16xf32>
        %select_n3A_541 = arith.select %lt3A_524, %sub3A_538, %broadcast_in_dim3A_540 : vector<16xi1>, vector<16xf32>
        %eq3A_542 = arith.cmpi eq, %get3A_525, %broadcast_in_dim3A_50 : vector<16xi32>
        %jit3A_543 = arith.constant 3.000000e+38 : f32
        %broadcast_in_dim3A_544 = vector.broadcast %jit3A_543 : f32 to vector<16xf32>
        %select_n3A_545 = arith.select %eq3A_542, %broadcast_in_dim3A_544, %select_n3A_541 : vector<16xi1>, vector<16xf32>
        %masked_sort3A = arith.constant dense<true> : vector<16xi1>
        %masked_sort3A_546, %masked_sort3A_547, %masked_sort3A_548 = tpu.sort %select_n3A_545, %get3A_525 masked %masked_sort3A {descending = true} : (vector<16xf32>, vector<16xi32>, vector<16xi1>) -> (vector<16xi1>, vector<16xf32>, vector<16xi32>)
        %le3A = arith.cmpf ole, %while3A_511, %masked_sort3A_547 : vector<16xf32>
        %select_n3A_549 = arith.select %le3A, %while3A_511, %masked_sort3A_547 : vector<16xi1>, vector<16xf32>
        %select_n3A_550 = arith.select %le3A, %while3A_512, %masked_sort3A_548 : vector<16xi1>, vector<16xi32>
        %masked_sort3A_551 = arith.constant dense<true> : vector<16xi1>
        %masked_sort3A_552, %masked_sort3A_553, %masked_sort3A_554 = tpu.sort %select_n3A_549, %select_n3A_550 masked %masked_sort3A_551 : (vector<16xf32>, vector<16xi32>, vector<16xi1>) -> (vector<16xi1>, vector<16xf32>, vector<16xi32>)
        %add3A_555 = vector.broadcast %mul3A_520 : i32 to vector<16xi32>
        %add3A_556 = arith.addi %iota3A, %add3A_555 : vector<16xi32>
        %lt3A_557 = vector.broadcast %parallel_loop3A_103#1 : i32 to vector<16xi32>
        %lt3A_558 = arith.cmpi slt, %add3A_556, %lt3A_557 : vector<16xi32>
        %get3A_559 = arith.index_cast %mul3A_520 : i32 to index
        %get3A_560 = tpu.vector_load %arg17[%get3A_559] {strides = array<i32>} : memref<4112xi32, #tpu.memory_space<vmem>>, vector<16xi32>,
        %gather3A_561 = tpu.vector_load_idx %arg9[%get3A_560] masked %lt3A_558 : memref<4096xf32, #tpu.memory_space<vmem>>[vector<16xi32>], vector<16xf32>, vector<16xi1>
        %gather3A_562 = tpu.vector_load_idx %arg10[%get3A_560] masked %lt3A_558 : memref<4096xf32, #tpu.memory_space<vmem>>[vector<16xi32>], vector<16xf32>, vector<16xi1>
        %gather3A_563 = tpu.vector_load_idx %arg11[%get3A_560] masked %lt3A_558 : memref<4096xf32, #tpu.memory_space<vmem>>[vector<16xi32>], vector<16xf32>, vector<16xi1>
        %gather3A_564 = tpu.vector_load_idx %arg15[%get3A_560] masked %lt3A_558 : memref<4096xf32, #tpu.memory_space<vmem>>[vector<16xi32>], vector<16xf32>, vector<16xi1>
        %mul3A_565 = arith.mulf %gather3A_62, %gather3A_561 : vector<16xf32>
        %mul3A_566 = arith.mulf %gather3A_63, %gather3A_562 : vector<16xf32>
        %add3A_567 = arith.addf %mul3A_565, %mul3A_566 : vector<16xf32>
        %mul3A_568 = arith.mulf %gather3A_64, %gather3A_563 : vector<16xf32>
        %add3A_569 = arith.addf %add3A_567, %mul3A_568 : vector<16xf32>
        %mul3A_570 = arith.constant 2.000000e+00 : f32
        %mul3A_571 = vector.broadcast %mul3A_570 : f32 to vector<16xf32>
        %mul3A_572 = arith.mulf %mul3A_571, %add3A_569 : vector<16xf32>
        %sub3A_573 = arith.subf %gather3A_564, %mul3A_572 : vector<16xf32>
        %jit3A_574 = arith.constant 3.000000e+38 : f32
        %broadcast_in_dim3A_575 = vector.broadcast %jit3A_574 : f32 to vector<16xf32>
        %select_n3A_576 = arith.select %lt3A_558, %sub3A_573, %broadcast_in_dim3A_575 : vector<16xi1>, vector<16xf32>
        %eq3A_577 = arith.cmpi eq, %get3A_560, %add3A_53 : vector<16xi32>
        %jit3A_578 = arith.constant 3.000000e+38 : f32
        %broadcast_in_dim3A_579 = vector.broadcast %jit3A_578 : f32 to vector<16xf32>
        %select_n3A_580 = arith.select %eq3A_577, %broadcast_in_dim3A_579, %select_n3A_576 : vector<16xi1>, vector<16xf32>
        %masked_sort3A_581 = arith.constant dense<true> : vector<16xi1>
        %masked_sort3A_582, %masked_sort3A_583, %masked_sort3A_584 = tpu.sort %select_n3A_580, %get3A_560 masked %masked_sort3A_581 {descending = true} : (vector<16xf32>, vector<16xi32>, vector<16xi1>) -> (vector<16xi1>, vector<16xf32>, vector<16xi32>)
        %le3A_585 = arith.cmpf ole, %while3A_513, %masked_sort3A_583 : vector<16xf32>
        %select_n3A_586 = arith.select %le3A_585, %while3A_513, %masked_sort3A_583 : vector<16xi1>, vector<16xf32>
        %select_n3A_587 = arith.select %le3A_585, %while3A_514, %masked_sort3A_584 : vector<16xi1>, vector<16xi32>
        %masked_sort3A_588 = arith.constant dense<true> : vector<16xi1>
        %masked_sort3A_589, %masked_sort3A_590, %masked_sort3A_591 = tpu.sort %select_n3A_586, %select_n3A_587 masked %masked_sort3A_588 : (vector<16xf32>, vector<16xi32>, vector<16xi1>) -> (vector<16xi1>, vector<16xf32>, vector<16xi32>)
        %add3A_592 = vector.broadcast %mul3A_520 : i32 to vector<16xi32>
        %add3A_593 = arith.addi %iota3A, %add3A_592 : vector<16xi32>
        %lt3A_594 = vector.broadcast %parallel_loop3A_103#2 : i32 to vector<16xi32>
        %lt3A_595 = arith.cmpi slt, %add3A_593, %lt3A_594 : vector<16xi32>
        %get3A_596 = arith.index_cast %mul3A_520 : i32 to index
        %get3A_597 = tpu.vector_load %arg18[%get3A_596] {strides = array<i32>} : memref<4112xi32, #tpu.memory_space<vmem>>, vector<16xi32>,
        %gather3A_598 = tpu.vector_load_idx %arg9[%get3A_597] masked %lt3A_595 : memref<4096xf32, #tpu.memory_space<vmem>>[vector<16xi32>], vector<16xf32>, vector<16xi1>
        %gather3A_599 = tpu.vector_load_idx %arg10[%get3A_597] masked %lt3A_595 : memref<4096xf32, #tpu.memory_space<vmem>>[vector<16xi32>], vector<16xf32>, vector<16xi1>
        %gather3A_600 = tpu.vector_load_idx %arg11[%get3A_597] masked %lt3A_595 : memref<4096xf32, #tpu.memory_space<vmem>>[vector<16xi32>], vector<16xf32>, vector<16xi1>
        %gather3A_601 = tpu.vector_load_idx %arg15[%get3A_597] masked %lt3A_595 : memref<4096xf32, #tpu.memory_space<vmem>>[vector<16xi32>], vector<16xf32>, vector<16xi1>
        %mul3A_602 = arith.mulf %gather3A_65, %gather3A_598 : vector<16xf32>
        %mul3A_603 = arith.mulf %gather3A_66, %gather3A_599 : vector<16xf32>
        %add3A_604 = arith.addf %mul3A_602, %mul3A_603 : vector<16xf32>
        %mul3A_605 = arith.mulf %gather3A_67, %gather3A_600 : vector<16xf32>
        %add3A_606 = arith.addf %add3A_604, %mul3A_605 : vector<16xf32>
        %mul3A_607 = arith.constant 2.000000e+00 : f32
        %mul3A_608 = vector.broadcast %mul3A_607 : f32 to vector<16xf32>
        %mul3A_609 = arith.mulf %mul3A_608, %add3A_606 : vector<16xf32>
        %sub3A_610 = arith.subf %gather3A_601, %mul3A_609 : vector<16xf32>
        %jit3A_611 = arith.constant 3.000000e+38 : f32
        %broadcast_in_dim3A_612 = vector.broadcast %jit3A_611 : f32 to vector<16xf32>
        %select_n3A_613 = arith.select %lt3A_595, %sub3A_610, %broadcast_in_dim3A_612 : vector<16xi1>, vector<16xf32>
        %eq3A_614 = arith.cmpi eq, %get3A_597, %add3A_56 : vector<16xi32>
        %jit3A_615 = arith.constant 3.000000e+38 : f32
        %broadcast_in_dim3A_616 = vector.broadcast %jit3A_615 : f32 to vector<16xf32>
        %select_n3A_617 = arith.select %eq3A_614, %broadcast_in_dim3A_616, %select_n3A_613 : vector<16xi1>, vector<16xf32>
        %masked_sort3A_618 = arith.constant dense<true> : vector<16xi1>
        %masked_sort3A_619, %masked_sort3A_620, %masked_sort3A_621 = tpu.sort %select_n3A_617, %get3A_597 masked %masked_sort3A_618 {descending = true} : (vector<16xf32>, vector<16xi32>, vector<16xi1>) -> (vector<16xi1>, vector<16xf32>, vector<16xi32>)
        %le3A_622 = arith.cmpf ole, %while3A_515, %masked_sort3A_620 : vector<16xf32>
        %select_n3A_623 = arith.select %le3A_622, %while3A_515, %masked_sort3A_620 : vector<16xi1>, vector<16xf32>
        %select_n3A_624 = arith.select %le3A_622, %while3A_516, %masked_sort3A_621 : vector<16xi1>, vector<16xi32>
        %masked_sort3A_625 = arith.constant dense<true> : vector<16xi1>
        %masked_sort3A_626, %masked_sort3A_627, %masked_sort3A_628 = tpu.sort %select_n3A_623, %select_n3A_624 masked %masked_sort3A_625 : (vector<16xf32>, vector<16xi32>, vector<16xi1>) -> (vector<16xi1>, vector<16xf32>, vector<16xi32>)
        %add3A_629 = vector.broadcast %mul3A_520 : i32 to vector<16xi32>
        %add3A_630 = arith.addi %iota3A, %add3A_629 : vector<16xi32>
        %lt3A_631 = vector.broadcast %parallel_loop3A_103#3 : i32 to vector<16xi32>
        %lt3A_632 = arith.cmpi slt, %add3A_630, %lt3A_631 : vector<16xi32>
        %get3A_633 = arith.index_cast %mul3A_520 : i32 to index
        %get3A_634 = tpu.vector_load %arg19[%get3A_633] {strides = array<i32>} : memref<4112xi32, #tpu.memory_space<vmem>>, vector<16xi32>,
        %gather3A_635 = tpu.vector_load_idx %arg9[%get3A_634] masked %lt3A_632 : memref<4096xf32, #tpu.memory_space<vmem>>[vector<16xi32>], vector<16xf32>, vector<16xi1>
        %gather3A_636 = tpu.vector_load_idx %arg10[%get3A_634] masked %lt3A_632 : memref<4096xf32, #tpu.memory_space<vmem>>[vector<16xi32>], vector<16xf32>, vector<16xi1>
        %gather3A_637 = tpu.vector_load_idx %arg11[%get3A_634] masked %lt3A_632 : memref<4096xf32, #tpu.memory_space<vmem>>[vector<16xi32>], vector<16xf32>, vector<16xi1>
        %gather3A_638 = tpu.vector_load_idx %arg15[%get3A_634] masked %lt3A_632 : memref<4096xf32, #tpu.memory_space<vmem>>[vector<16xi32>], vector<16xf32>, vector<16xi1>
        %mul3A_639 = arith.mulf %gather3A_68, %gather3A_635 : vector<16xf32>
        %mul3A_640 = arith.mulf %gather3A_69, %gather3A_636 : vector<16xf32>
        %add3A_641 = arith.addf %mul3A_639, %mul3A_640 : vector<16xf32>
        %mul3A_642 = arith.mulf %gather3A_70, %gather3A_637 : vector<16xf32>
        %add3A_643 = arith.addf %add3A_641, %mul3A_642 : vector<16xf32>
        %mul3A_644 = arith.constant 2.000000e+00 : f32
        %mul3A_645 = vector.broadcast %mul3A_644 : f32 to vector<16xf32>
        %mul3A_646 = arith.mulf %mul3A_645, %add3A_643 : vector<16xf32>
        %sub3A_647 = arith.subf %gather3A_638, %mul3A_646 : vector<16xf32>
        %jit3A_648 = arith.constant 3.000000e+38 : f32
        %broadcast_in_dim3A_649 = vector.broadcast %jit3A_648 : f32 to vector<16xf32>
        %select_n3A_650 = arith.select %lt3A_632, %sub3A_647, %broadcast_in_dim3A_649 : vector<16xi1>, vector<16xf32>
        %eq3A_651 = arith.cmpi eq, %get3A_634, %add3A_59 : vector<16xi32>
        %jit3A_652 = arith.constant 3.000000e+38 : f32
        %broadcast_in_dim3A_653 = vector.broadcast %jit3A_652 : f32 to vector<16xf32>
        %select_n3A_654 = arith.select %eq3A_651, %broadcast_in_dim3A_653, %select_n3A_650 : vector<16xi1>, vector<16xf32>
        %masked_sort3A_655 = arith.constant dense<true> : vector<16xi1>
        %masked_sort3A_656, %masked_sort3A_657, %masked_sort3A_658 = tpu.sort %select_n3A_654, %get3A_634 masked %masked_sort3A_655 {descending = true} : (vector<16xf32>, vector<16xi32>, vector<16xi1>) -> (vector<16xi1>, vector<16xf32>, vector<16xi32>)
        %le3A_659 = arith.cmpf ole, %while3A_517, %masked_sort3A_657 : vector<16xf32>
        %select_n3A_660 = arith.select %le3A_659, %while3A_517, %masked_sort3A_657 : vector<16xi1>, vector<16xf32>
        %select_n3A_661 = arith.select %le3A_659, %while3A_518, %masked_sort3A_658 : vector<16xi1>, vector<16xi32>
        %masked_sort3A_662 = arith.constant dense<true> : vector<16xi1>
        %masked_sort3A_663, %masked_sort3A_664, %masked_sort3A_665 = tpu.sort %select_n3A_660, %select_n3A_661 masked %masked_sort3A_662 : (vector<16xf32>, vector<16xi32>, vector<16xi1>) -> (vector<16xi1>, vector<16xf32>, vector<16xi32>)
        scf.yield %masked_sort3A_553, %masked_sort3A_554, %masked_sort3A_590, %masked_sort3A_591, %masked_sort3A_627, %masked_sort3A_628, %masked_sort3A_664, %masked_sort3A_665 : vector<16xf32>, vector<16xi32>, vector<16xf32>, vector<16xi32>, vector<16xf32>, vector<16xi32>, vector<16xf32>, vector<16xi32>
      }
      %broadcast_in_dim3A_144 = arith.constant 0.000000e+00 : f32
      %broadcast_in_dim3A_145 = vector.broadcast %broadcast_in_dim3A_144 : f32 to vector<16xf32>
      %gather3A_146 = tpu.vector_load_idx %arg15[%broadcast_in_dim3A_50] : memref<4096xf32, #tpu.memory_space<vmem>>[vector<16xi32>], vector<16xf32>,
      %add3A_147 = arith.addf %while3A_143#0, %gather3A_146 : vector<16xf32>
      %bitcast3A = vector.bitcast %add3A_147 : vector<16xf32> to vector<16xi32>
      %shift_right_arithmetic3A = arith.constant 1 : i32
      %shift_right_arithmetic3A_148 = vector.broadcast %shift_right_arithmetic3A : i32 to vector<16xi32>
      %shift_right_arithmetic3A_149 = arith.shrsi %bitcast3A, %shift_right_arithmetic3A_148 : vector<16xi32>
      %sub3A_150 = arith.constant 1597463007 : i32
      %sub3A_151 = vector.broadcast %sub3A_150 : i32 to vector<16xi32>
      %sub3A_152 = arith.subi %sub3A_151, %shift_right_arithmetic3A_149 : vector<16xi32>
      %bitcast3A_153 = vector.bitcast %sub3A_152 : vector<16xi32> to vector<16xf32>
      %mul3A_154 = arith.constant 5.000000e-01 : f32
      %mul3A_155 = vector.broadcast %mul3A_154 : f32 to vector<16xf32>
      %mul3A_156 = arith.mulf %add3A_147, %mul3A_155 : vector<16xf32>
      %mul3A_157 = arith.mulf %mul3A_156, %bitcast3A_153 : vector<16xf32>
      %mul3A_158 = arith.mulf %mul3A_157, %bitcast3A_153 : vector<16xf32>
      %sub3A_159 = arith.constant 1.500000e+00 : f32
      %sub3A_160 = vector.broadcast %sub3A_159 : f32 to vector<16xf32>
      %sub3A_161 = arith.subf %sub3A_160, %mul3A_158 : vector<16xf32>
      %mul3A_162 = arith.mulf %bitcast3A_153, %sub3A_161 : vector<16xf32>
      %mul3A_163 = arith.mulf %mul3A_156, %mul3A_162 : vector<16xf32>
      %mul3A_164 = arith.mulf %mul3A_163, %mul3A_162 : vector<16xf32>
      %sub3A_165 = arith.constant 1.500000e+00 : f32
      %sub3A_166 = vector.broadcast %sub3A_165 : f32 to vector<16xf32>
      %sub3A_167 = arith.subf %sub3A_166, %mul3A_164 : vector<16xf32>
      %mul3A_168 = arith.mulf %mul3A_162, %sub3A_167 : vector<16xf32>
      %mul3A_169 = arith.mulf %mul3A_156, %mul3A_168 : vector<16xf32>
      %mul3A_170 = arith.mulf %mul3A_169, %mul3A_168 : vector<16xf32>
      %sub3A_171 = arith.constant 1.500000e+00 : f32
      %sub3A_172 = vector.broadcast %sub3A_171 : f32 to vector<16xf32>
      %sub3A_173 = arith.subf %sub3A_172, %mul3A_170 : vector<16xf32>
      %mul3A_174 = arith.mulf %mul3A_168, %sub3A_173 : vector<16xf32>
      %gt3A = arith.constant 0.000000e+00 : f32
      %gt3A_175 = vector.broadcast %gt3A : f32 to vector<16xf32>
      %gt3A_176 = arith.cmpf ogt, %add3A_147, %gt3A_175 : vector<16xf32>
      %mul3A_177 = arith.mulf %add3A_147, %mul3A_174 : vector<16xf32>
      %jit3A_178 = arith.constant 0.000000e+00 : f32
      %broadcast_in_dim3A_179 = vector.broadcast %jit3A_178 : f32 to vector<16xf32>
      %select_n3A_180 = arith.select %gt3A_176, %mul3A_177, %broadcast_in_dim3A_179 : vector<16xi1>, vector<16xf32>
      %gather3A_181 = tpu.vector_load_idx %arg12[%broadcast_in_dim3A_50] : memref<4096xf32, #tpu.memory_space<vmem>>[vector<16xi32>], vector<16xf32>,
      %gather3A_182 = tpu.vector_load_idx %arg13[%broadcast_in_dim3A_50] : memref<4096xf32, #tpu.memory_space<vmem>>[vector<16xi32>], vector<16xf32>,
      %gather3A_183 = tpu.vector_load_idx %arg14[%broadcast_in_dim3A_50] : memref<4096xf32, #tpu.memory_space<vmem>>[vector<16xi32>], vector<16xf32>,
      %gather3A_184 = tpu.vector_load_idx %arg12[%while3A_143#1] : memref<4096xf32, #tpu.memory_space<vmem>>[vector<16xi32>], vector<16xf32>,
      %gather3A_185 = tpu.vector_load_idx %arg13[%while3A_143#1] : memref<4096xf32, #tpu.memory_space<vmem>>[vector<16xi32>], vector<16xf32>,
      %gather3A_186 = tpu.vector_load_idx %arg14[%while3A_143#1] : memref<4096xf32, #tpu.memory_space<vmem>>[vector<16xi32>], vector<16xf32>,
      %sub3A_187 = arith.subf %gather3A_184, %gather3A_181 : vector<16xf32>
      %sub3A_188 = arith.subf %gather3A_185, %gather3A_182 : vector<16xf32>
      %sub3A_189 = arith.subf %gather3A_186, %gather3A_183 : vector<16xf32>
      %mul3A_190 = arith.mulf %sub3A_187, %sub3A_187 : vector<16xf32>
      %mul3A_191 = arith.mulf %sub3A_188, %sub3A_188 : vector<16xf32>
      %add3A_192 = arith.addf %mul3A_190, %mul3A_191 : vector<16xf32>
      %mul3A_193 = arith.mulf %sub3A_189, %sub3A_189 : vector<16xf32>
      %add3A_194 = arith.addf %add3A_192, %mul3A_193 : vector<16xf32>
      %bitcast3A_195 = vector.bitcast %add3A_194 : vector<16xf32> to vector<16xi32>
      %shift_right_arithmetic3A_196 = arith.constant 1 : i32
      %shift_right_arithmetic3A_197 = vector.broadcast %shift_right_arithmetic3A_196 : i32 to vector<16xi32>
      %shift_right_arithmetic3A_198 = arith.shrsi %bitcast3A_195, %shift_right_arithmetic3A_197 : vector<16xi32>
      %sub3A_199 = arith.constant 1597463007 : i32
      %sub3A_200 = vector.broadcast %sub3A_199 : i32 to vector<16xi32>
      %sub3A_201 = arith.subi %sub3A_200, %shift_right_arithmetic3A_198 : vector<16xi32>
      %bitcast3A_202 = vector.bitcast %sub3A_201 : vector<16xi32> to vector<16xf32>
      %mul3A_203 = arith.constant 5.000000e-01 : f32
      %mul3A_204 = vector.broadcast %mul3A_203 : f32 to vector<16xf32>
      %mul3A_205 = arith.mulf %add3A_194, %mul3A_204 : vector<16xf32>
      %mul3A_206 = arith.mulf %mul3A_205, %bitcast3A_202 : vector<16xf32>
      %mul3A_207 = arith.mulf %mul3A_206, %bitcast3A_202 : vector<16xf32>
      %sub3A_208 = arith.constant 1.500000e+00 : f32
      %sub3A_209 = vector.broadcast %sub3A_208 : f32 to vector<16xf32>
      %sub3A_210 = arith.subf %sub3A_209, %mul3A_207 : vector<16xf32>
      %mul3A_211 = arith.mulf %bitcast3A_202, %sub3A_210 : vector<16xf32>
      %mul3A_212 = arith.mulf %mul3A_205, %mul3A_211 : vector<16xf32>
      %mul3A_213 = arith.mulf %mul3A_212, %mul3A_211 : vector<16xf32>
      %sub3A_214 = arith.constant 1.500000e+00 : f32
      %sub3A_215 = vector.broadcast %sub3A_214 : f32 to vector<16xf32>
      %sub3A_216 = arith.subf %sub3A_215, %mul3A_213 : vector<16xf32>
      %mul3A_217 = arith.mulf %mul3A_211, %sub3A_216 : vector<16xf32>
      %mul3A_218 = arith.mulf %mul3A_205, %mul3A_217 : vector<16xf32>
      %mul3A_219 = arith.mulf %mul3A_218, %mul3A_217 : vector<16xf32>
      %sub3A_220 = arith.constant 1.500000e+00 : f32
      %sub3A_221 = vector.broadcast %sub3A_220 : f32 to vector<16xf32>
      %sub3A_222 = arith.subf %sub3A_221, %mul3A_219 : vector<16xf32>
      %mul3A_223 = arith.mulf %mul3A_217, %sub3A_222 : vector<16xf32>
      %gt3A_224 = arith.constant 0.000000e+00 : f32
      %gt3A_225 = vector.broadcast %gt3A_224 : f32 to vector<16xf32>
      %gt3A_226 = arith.cmpf ogt, %add3A_194, %gt3A_225 : vector<16xf32>
      %mul3A_227 = arith.mulf %add3A_194, %mul3A_223 : vector<16xf32>
      %jit3A_228 = arith.constant 0.000000e+00 : f32
      %broadcast_in_dim3A_229 = vector.broadcast %jit3A_228 : f32 to vector<16xf32>
      %select_n3A_230 = arith.select %gt3A_226, %mul3A_227, %broadcast_in_dim3A_229 : vector<16xi1>, vector<16xf32>
      %sub3A_231 = arith.subf %select_n3A_180, %select_n3A_230 : vector<16xf32>
      %abs3A = math.absf %sub3A_231 : vector<16xf32>
      %add3A_232 = arith.addf %broadcast_in_dim3A_145, %abs3A : vector<16xf32>
      %gather3A_233 = tpu.vector_load_idx %arg15[%add3A_53] : memref<4096xf32, #tpu.memory_space<vmem>>[vector<16xi32>], vector<16xf32>,
      %add3A_234 = arith.addf %while3A_143#2, %gather3A_233 : vector<16xf32>
      %bitcast3A_235 = vector.bitcast %add3A_234 : vector<16xf32> to vector<16xi32>
      %shift_right_arithmetic3A_236 = arith.constant 1 : i32
      %shift_right_arithmetic3A_237 = vector.broadcast %shift_right_arithmetic3A_236 : i32 to vector<16xi32>
      %shift_right_arithmetic3A_238 = arith.shrsi %bitcast3A_235, %shift_right_arithmetic3A_237 : vector<16xi32>
      %sub3A_239 = arith.constant 1597463007 : i32
      %sub3A_240 = vector.broadcast %sub3A_239 : i32 to vector<16xi32>
      %sub3A_241 = arith.subi %sub3A_240, %shift_right_arithmetic3A_238 : vector<16xi32>
      %bitcast3A_242 = vector.bitcast %sub3A_241 : vector<16xi32> to vector<16xf32>
      %mul3A_243 = arith.constant 5.000000e-01 : f32
      %mul3A_244 = vector.broadcast %mul3A_243 : f32 to vector<16xf32>
      %mul3A_245 = arith.mulf %add3A_234, %mul3A_244 : vector<16xf32>
      %mul3A_246 = arith.mulf %mul3A_245, %bitcast3A_242 : vector<16xf32>
      %mul3A_247 = arith.mulf %mul3A_246, %bitcast3A_242 : vector<16xf32>
      %sub3A_248 = arith.constant 1.500000e+00 : f32
      %sub3A_249 = vector.broadcast %sub3A_248 : f32 to vector<16xf32>
      %sub3A_250 = arith.subf %sub3A_249, %mul3A_247 : vector<16xf32>
      %mul3A_251 = arith.mulf %bitcast3A_242, %sub3A_250 : vector<16xf32>
      %mul3A_252 = arith.mulf %mul3A_245, %mul3A_251 : vector<16xf32>
      %mul3A_253 = arith.mulf %mul3A_252, %mul3A_251 : vector<16xf32>
      %sub3A_254 = arith.constant 1.500000e+00 : f32
      %sub3A_255 = vector.broadcast %sub3A_254 : f32 to vector<16xf32>
      %sub3A_256 = arith.subf %sub3A_255, %mul3A_253 : vector<16xf32>
      %mul3A_257 = arith.mulf %mul3A_251, %sub3A_256 : vector<16xf32>
      %mul3A_258 = arith.mulf %mul3A_245, %mul3A_257 : vector<16xf32>
      %mul3A_259 = arith.mulf %mul3A_258, %mul3A_257 : vector<16xf32>
      %sub3A_260 = arith.constant 1.500000e+00 : f32
      %sub3A_261 = vector.broadcast %sub3A_260 : f32 to vector<16xf32>
      %sub3A_262 = arith.subf %sub3A_261, %mul3A_259 : vector<16xf32>
      %mul3A_263 = arith.mulf %mul3A_257, %sub3A_262 : vector<16xf32>
      %gt3A_264 = arith.constant 0.000000e+00 : f32
      %gt3A_265 = vector.broadcast %gt3A_264 : f32 to vector<16xf32>
      %gt3A_266 = arith.cmpf ogt, %add3A_234, %gt3A_265 : vector<16xf32>
      %mul3A_267 = arith.mulf %add3A_234, %mul3A_263 : vector<16xf32>
      %jit3A_268 = arith.constant 0.000000e+00 : f32
      %broadcast_in_dim3A_269 = vector.broadcast %jit3A_268 : f32 to vector<16xf32>
      %select_n3A_270 = arith.select %gt3A_266, %mul3A_267, %broadcast_in_dim3A_269 : vector<16xi1>, vector<16xf32>
      %gather3A_271 = tpu.vector_load_idx %arg12[%add3A_53] : memref<4096xf32, #tpu.memory_space<vmem>>[vector<16xi32>], vector<16xf32>,
      %gather3A_272 = tpu.vector_load_idx %arg13[%add3A_53] : memref<4096xf32, #tpu.memory_space<vmem>>[vector<16xi32>], vector<16xf32>,
      %gather3A_273 = tpu.vector_load_idx %arg14[%add3A_53] : memref<4096xf32, #tpu.memory_space<vmem>>[vector<16xi32>], vector<16xf32>,
      %gather3A_274 = tpu.vector_load_idx %arg12[%while3A_143#3] : memref<4096xf32, #tpu.memory_space<vmem>>[vector<16xi32>], vector<16xf32>,
      %gather3A_275 = tpu.vector_load_idx %arg13[%while3A_143#3] : memref<4096xf32, #tpu.memory_space<vmem>>[vector<16xi32>], vector<16xf32>,
      %gather3A_276 = tpu.vector_load_idx %arg14[%while3A_143#3] : memref<4096xf32, #tpu.memory_space<vmem>>[vector<16xi32>], vector<16xf32>,
      %sub3A_277 = arith.subf %gather3A_274, %gather3A_271 : vector<16xf32>
      %sub3A_278 = arith.subf %gather3A_275, %gather3A_272 : vector<16xf32>
      %sub3A_279 = arith.subf %gather3A_276, %gather3A_273 : vector<16xf32>
      %mul3A_280 = arith.mulf %sub3A_277, %sub3A_277 : vector<16xf32>
      %mul3A_281 = arith.mulf %sub3A_278, %sub3A_278 : vector<16xf32>
      %add3A_282 = arith.addf %mul3A_280, %mul3A_281 : vector<16xf32>
      %mul3A_283 = arith.mulf %sub3A_279, %sub3A_279 : vector<16xf32>
      %add3A_284 = arith.addf %add3A_282, %mul3A_283 : vector<16xf32>
      %bitcast3A_285 = vector.bitcast %add3A_284 : vector<16xf32> to vector<16xi32>
      %shift_right_arithmetic3A_286 = arith.constant 1 : i32
      %shift_right_arithmetic3A_287 = vector.broadcast %shift_right_arithmetic3A_286 : i32 to vector<16xi32>
      %shift_right_arithmetic3A_288 = arith.shrsi %bitcast3A_285, %shift_right_arithmetic3A_287 : vector<16xi32>
      %sub3A_289 = arith.constant 1597463007 : i32
      %sub3A_290 = vector.broadcast %sub3A_289 : i32 to vector<16xi32>
      %sub3A_291 = arith.subi %sub3A_290, %shift_right_arithmetic3A_288 : vector<16xi32>
      %bitcast3A_292 = vector.bitcast %sub3A_291 : vector<16xi32> to vector<16xf32>
      %mul3A_293 = arith.constant 5.000000e-01 : f32
      %mul3A_294 = vector.broadcast %mul3A_293 : f32 to vector<16xf32>
      %mul3A_295 = arith.mulf %add3A_284, %mul3A_294 : vector<16xf32>
      %mul3A_296 = arith.mulf %mul3A_295, %bitcast3A_292 : vector<16xf32>
      %mul3A_297 = arith.mulf %mul3A_296, %bitcast3A_292 : vector<16xf32>
      %sub3A_298 = arith.constant 1.500000e+00 : f32
      %sub3A_299 = vector.broadcast %sub3A_298 : f32 to vector<16xf32>
      %sub3A_300 = arith.subf %sub3A_299, %mul3A_297 : vector<16xf32>
      %mul3A_301 = arith.mulf %bitcast3A_292, %sub3A_300 : vector<16xf32>
      %mul3A_302 = arith.mulf %mul3A_295, %mul3A_301 : vector<16xf32>
      %mul3A_303 = arith.mulf %mul3A_302, %mul3A_301 : vector<16xf32>
      %sub3A_304 = arith.constant 1.500000e+00 : f32
      %sub3A_305 = vector.broadcast %sub3A_304 : f32 to vector<16xf32>
      %sub3A_306 = arith.subf %sub3A_305, %mul3A_303 : vector<16xf32>
      %mul3A_307 = arith.mulf %mul3A_301, %sub3A_306 : vector<16xf32>
      %mul3A_308 = arith.mulf %mul3A_295, %mul3A_307 : vector<16xf32>
      %mul3A_309 = arith.mulf %mul3A_308, %mul3A_307 : vector<16xf32>
      %sub3A_310 = arith.constant 1.500000e+00 : f32
      %sub3A_311 = vector.broadcast %sub3A_310 : f32 to vector<16xf32>
      %sub3A_312 = arith.subf %sub3A_311, %mul3A_309 : vector<16xf32>
      %mul3A_313 = arith.mulf %mul3A_307, %sub3A_312 : vector<16xf32>
      %gt3A_314 = arith.constant 0.000000e+00 : f32
      %gt3A_315 = vector.broadcast %gt3A_314 : f32 to vector<16xf32>
      %gt3A_316 = arith.cmpf ogt, %add3A_284, %gt3A_315 : vector<16xf32>
      %mul3A_317 = arith.mulf %add3A_284, %mul3A_313 : vector<16xf32>
      %jit3A_318 = arith.constant 0.000000e+00 : f32
      %broadcast_in_dim3A_319 = vector.broadcast %jit3A_318 : f32 to vector<16xf32>
      %select_n3A_320 = arith.select %gt3A_316, %mul3A_317, %broadcast_in_dim3A_319 : vector<16xi1>, vector<16xf32>
      %sub3A_321 = arith.subf %select_n3A_270, %select_n3A_320 : vector<16xf32>
      %abs3A_322 = math.absf %sub3A_321 : vector<16xf32>
      %add3A_323 = arith.addf %add3A_232, %abs3A_322 : vector<16xf32>
      %gather3A_324 = tpu.vector_load_idx %arg15[%add3A_56] : memref<4096xf32, #tpu.memory_space<vmem>>[vector<16xi32>], vector<16xf32>,
      %add3A_325 = arith.addf %while3A_143#4, %gather3A_324 : vector<16xf32>
      %bitcast3A_326 = vector.bitcast %add3A_325 : vector<16xf32> to vector<16xi32>
      %shift_right_arithmetic3A_327 = arith.constant 1 : i32
      %shift_right_arithmetic3A_328 = vector.broadcast %shift_right_arithmetic3A_327 : i32 to vector<16xi32>
      %shift_right_arithmetic3A_329 = arith.shrsi %bitcast3A_326, %shift_right_arithmetic3A_328 : vector<16xi32>
      %sub3A_330 = arith.constant 1597463007 : i32
      %sub3A_331 = vector.broadcast %sub3A_330 : i32 to vector<16xi32>
      %sub3A_332 = arith.subi %sub3A_331, %shift_right_arithmetic3A_329 : vector<16xi32>
      %bitcast3A_333 = vector.bitcast %sub3A_332 : vector<16xi32> to vector<16xf32>
      %mul3A_334 = arith.constant 5.000000e-01 : f32
      %mul3A_335 = vector.broadcast %mul3A_334 : f32 to vector<16xf32>
      %mul3A_336 = arith.mulf %add3A_325, %mul3A_335 : vector<16xf32>
      %mul3A_337 = arith.mulf %mul3A_336, %bitcast3A_333 : vector<16xf32>
      %mul3A_338 = arith.mulf %mul3A_337, %bitcast3A_333 : vector<16xf32>
      %sub3A_339 = arith.constant 1.500000e+00 : f32
      %sub3A_340 = vector.broadcast %sub3A_339 : f32 to vector<16xf32>
      %sub3A_341 = arith.subf %sub3A_340, %mul3A_338 : vector<16xf32>
      %mul3A_342 = arith.mulf %bitcast3A_333, %sub3A_341 : vector<16xf32>
      %mul3A_343 = arith.mulf %mul3A_336, %mul3A_342 : vector<16xf32>
      %mul3A_344 = arith.mulf %mul3A_343, %mul3A_342 : vector<16xf32>
      %sub3A_345 = arith.constant 1.500000e+00 : f32
      %sub3A_346 = vector.broadcast %sub3A_345 : f32 to vector<16xf32>
      %sub3A_347 = arith.subf %sub3A_346, %mul3A_344 : vector<16xf32>
      %mul3A_348 = arith.mulf %mul3A_342, %sub3A_347 : vector<16xf32>
      %mul3A_349 = arith.mulf %mul3A_336, %mul3A_348 : vector<16xf32>
      %mul3A_350 = arith.mulf %mul3A_349, %mul3A_348 : vector<16xf32>
      %sub3A_351 = arith.constant 1.500000e+00 : f32
      %sub3A_352 = vector.broadcast %sub3A_351 : f32 to vector<16xf32>
      %sub3A_353 = arith.subf %sub3A_352, %mul3A_350 : vector<16xf32>
      %mul3A_354 = arith.mulf %mul3A_348, %sub3A_353 : vector<16xf32>
      %gt3A_355 = arith.constant 0.000000e+00 : f32
      %gt3A_356 = vector.broadcast %gt3A_355 : f32 to vector<16xf32>
      %gt3A_357 = arith.cmpf ogt, %add3A_325, %gt3A_356 : vector<16xf32>
      %mul3A_358 = arith.mulf %add3A_325, %mul3A_354 : vector<16xf32>
      %jit3A_359 = arith.constant 0.000000e+00 : f32
      %broadcast_in_dim3A_360 = vector.broadcast %jit3A_359 : f32 to vector<16xf32>
      %select_n3A_361 = arith.select %gt3A_357, %mul3A_358, %broadcast_in_dim3A_360 : vector<16xi1>, vector<16xf32>
      %gather3A_362 = tpu.vector_load_idx %arg12[%add3A_56] : memref<4096xf32, #tpu.memory_space<vmem>>[vector<16xi32>], vector<16xf32>,
      %gather3A_363 = tpu.vector_load_idx %arg13[%add3A_56] : memref<4096xf32, #tpu.memory_space<vmem>>[vector<16xi32>], vector<16xf32>,
      %gather3A_364 = tpu.vector_load_idx %arg14[%add3A_56] : memref<4096xf32, #tpu.memory_space<vmem>>[vector<16xi32>], vector<16xf32>,
      %gather3A_365 = tpu.vector_load_idx %arg12[%while3A_143#5] : memref<4096xf32, #tpu.memory_space<vmem>>[vector<16xi32>], vector<16xf32>,
      %gather3A_366 = tpu.vector_load_idx %arg13[%while3A_143#5] : memref<4096xf32, #tpu.memory_space<vmem>>[vector<16xi32>], vector<16xf32>,
      %gather3A_367 = tpu.vector_load_idx %arg14[%while3A_143#5] : memref<4096xf32, #tpu.memory_space<vmem>>[vector<16xi32>], vector<16xf32>,
      %sub3A_368 = arith.subf %gather3A_365, %gather3A_362 : vector<16xf32>
      %sub3A_369 = arith.subf %gather3A_366, %gather3A_363 : vector<16xf32>
      %sub3A_370 = arith.subf %gather3A_367, %gather3A_364 : vector<16xf32>
      %mul3A_371 = arith.mulf %sub3A_368, %sub3A_368 : vector<16xf32>
      %mul3A_372 = arith.mulf %sub3A_369, %sub3A_369 : vector<16xf32>
      %add3A_373 = arith.addf %mul3A_371, %mul3A_372 : vector<16xf32>
      %mul3A_374 = arith.mulf %sub3A_370, %sub3A_370 : vector<16xf32>
      %add3A_375 = arith.addf %add3A_373, %mul3A_374 : vector<16xf32>
      %bitcast3A_376 = vector.bitcast %add3A_375 : vector<16xf32> to vector<16xi32>
      %shift_right_arithmetic3A_377 = arith.constant 1 : i32
      %shift_right_arithmetic3A_378 = vector.broadcast %shift_right_arithmetic3A_377 : i32 to vector<16xi32>
      %shift_right_arithmetic3A_379 = arith.shrsi %bitcast3A_376, %shift_right_arithmetic3A_378 : vector<16xi32>
      %sub3A_380 = arith.constant 1597463007 : i32
      %sub3A_381 = vector.broadcast %sub3A_380 : i32 to vector<16xi32>
      %sub3A_382 = arith.subi %sub3A_381, %shift_right_arithmetic3A_379 : vector<16xi32>
      %bitcast3A_383 = vector.bitcast %sub3A_382 : vector<16xi32> to vector<16xf32>
      %mul3A_384 = arith.constant 5.000000e-01 : f32
      %mul3A_385 = vector.broadcast %mul3A_384 : f32 to vector<16xf32>
      %mul3A_386 = arith.mulf %add3A_375, %mul3A_385 : vector<16xf32>
      %mul3A_387 = arith.mulf %mul3A_386, %bitcast3A_383 : vector<16xf32>
      %mul3A_388 = arith.mulf %mul3A_387, %bitcast3A_383 : vector<16xf32>
      %sub3A_389 = arith.constant 1.500000e+00 : f32
      %sub3A_390 = vector.broadcast %sub3A_389 : f32 to vector<16xf32>
      %sub3A_391 = arith.subf %sub3A_390, %mul3A_388 : vector<16xf32>
      %mul3A_392 = arith.mulf %bitcast3A_383, %sub3A_391 : vector<16xf32>
      %mul3A_393 = arith.mulf %mul3A_386, %mul3A_392 : vector<16xf32>
      %mul3A_394 = arith.mulf %mul3A_393, %mul3A_392 : vector<16xf32>
      %sub3A_395 = arith.constant 1.500000e+00 : f32
      %sub3A_396 = vector.broadcast %sub3A_395 : f32 to vector<16xf32>
      %sub3A_397 = arith.subf %sub3A_396, %mul3A_394 : vector<16xf32>
      %mul3A_398 = arith.mulf %mul3A_392, %sub3A_397 : vector<16xf32>
      %mul3A_399 = arith.mulf %mul3A_386, %mul3A_398 : vector<16xf32>
      %mul3A_400 = arith.mulf %mul3A_399, %mul3A_398 : vector<16xf32>
      %sub3A_401 = arith.constant 1.500000e+00 : f32
      %sub3A_402 = vector.broadcast %sub3A_401 : f32 to vector<16xf32>
      %sub3A_403 = arith.subf %sub3A_402, %mul3A_400 : vector<16xf32>
      %mul3A_404 = arith.mulf %mul3A_398, %sub3A_403 : vector<16xf32>
      %gt3A_405 = arith.constant 0.000000e+00 : f32
      %gt3A_406 = vector.broadcast %gt3A_405 : f32 to vector<16xf32>
      %gt3A_407 = arith.cmpf ogt, %add3A_375, %gt3A_406 : vector<16xf32>
      %mul3A_408 = arith.mulf %add3A_375, %mul3A_404 : vector<16xf32>
      %jit3A_409 = arith.constant 0.000000e+00 : f32
      %broadcast_in_dim3A_410 = vector.broadcast %jit3A_409 : f32 to vector<16xf32>
      %select_n3A_411 = arith.select %gt3A_407, %mul3A_408, %broadcast_in_dim3A_410 : vector<16xi1>, vector<16xf32>
      %sub3A_412 = arith.subf %select_n3A_361, %select_n3A_411 : vector<16xf32>
      %abs3A_413 = math.absf %sub3A_412 : vector<16xf32>
      %add3A_414 = arith.addf %add3A_323, %abs3A_413 : vector<16xf32>
      %gather3A_415 = tpu.vector_load_idx %arg15[%add3A_59] : memref<4096xf32, #tpu.memory_space<vmem>>[vector<16xi32>], vector<16xf32>,
      %add3A_416 = arith.addf %while3A_143#6, %gather3A_415 : vector<16xf32>
      %bitcast3A_417 = vector.bitcast %add3A_416 : vector<16xf32> to vector<16xi32>
      %shift_right_arithmetic3A_418 = arith.constant 1 : i32
      %shift_right_arithmetic3A_419 = vector.broadcast %shift_right_arithmetic3A_418 : i32 to vector<16xi32>
      %shift_right_arithmetic3A_420 = arith.shrsi %bitcast3A_417, %shift_right_arithmetic3A_419 : vector<16xi32>
      %sub3A_421 = arith.constant 1597463007 : i32
      %sub3A_422 = vector.broadcast %sub3A_421 : i32 to vector<16xi32>
      %sub3A_423 = arith.subi %sub3A_422, %shift_right_arithmetic3A_420 : vector<16xi32>
      %bitcast3A_424 = vector.bitcast %sub3A_423 : vector<16xi32> to vector<16xf32>
      %mul3A_425 = arith.constant 5.000000e-01 : f32
      %mul3A_426 = vector.broadcast %mul3A_425 : f32 to vector<16xf32>
      %mul3A_427 = arith.mulf %add3A_416, %mul3A_426 : vector<16xf32>
      %mul3A_428 = arith.mulf %mul3A_427, %bitcast3A_424 : vector<16xf32>
      %mul3A_429 = arith.mulf %mul3A_428, %bitcast3A_424 : vector<16xf32>
      %sub3A_430 = arith.constant 1.500000e+00 : f32
      %sub3A_431 = vector.broadcast %sub3A_430 : f32 to vector<16xf32>
      %sub3A_432 = arith.subf %sub3A_431, %mul3A_429 : vector<16xf32>
      %mul3A_433 = arith.mulf %bitcast3A_424, %sub3A_432 : vector<16xf32>
      %mul3A_434 = arith.mulf %mul3A_427, %mul3A_433 : vector<16xf32>
      %mul3A_435 = arith.mulf %mul3A_434, %mul3A_433 : vector<16xf32>
      %sub3A_436 = arith.constant 1.500000e+00 : f32
      %sub3A_437 = vector.broadcast %sub3A_436 : f32 to vector<16xf32>
      %sub3A_438 = arith.subf %sub3A_437, %mul3A_435 : vector<16xf32>
      %mul3A_439 = arith.mulf %mul3A_433, %sub3A_438 : vector<16xf32>
      %mul3A_440 = arith.mulf %mul3A_427, %mul3A_439 : vector<16xf32>
      %mul3A_441 = arith.mulf %mul3A_440, %mul3A_439 : vector<16xf32>
      %sub3A_442 = arith.constant 1.500000e+00 : f32
      %sub3A_443 = vector.broadcast %sub3A_442 : f32 to vector<16xf32>
      %sub3A_444 = arith.subf %sub3A_443, %mul3A_441 : vector<16xf32>
      %mul3A_445 = arith.mulf %mul3A_439, %sub3A_444 : vector<16xf32>
      %gt3A_446 = arith.constant 0.000000e+00 : f32
      %gt3A_447 = vector.broadcast %gt3A_446 : f32 to vector<16xf32>
      %gt3A_448 = arith.cmpf ogt, %add3A_416, %gt3A_447 : vector<16xf32>
      %mul3A_449 = arith.mulf %add3A_416, %mul3A_445 : vector<16xf32>
      %jit3A_450 = arith.constant 0.000000e+00 : f32
      %broadcast_in_dim3A_451 = vector.broadcast %jit3A_450 : f32 to vector<16xf32>
      %select_n3A_452 = arith.select %gt3A_448, %mul3A_449, %broadcast_in_dim3A_451 : vector<16xi1>, vector<16xf32>
      %gather3A_453 = tpu.vector_load_idx %arg12[%add3A_59] : memref<4096xf32, #tpu.memory_space<vmem>>[vector<16xi32>], vector<16xf32>,
      %gather3A_454 = tpu.vector_load_idx %arg13[%add3A_59] : memref<4096xf32, #tpu.memory_space<vmem>>[vector<16xi32>], vector<16xf32>,
      %gather3A_455 = tpu.vector_load_idx %arg14[%add3A_59] : memref<4096xf32, #tpu.memory_space<vmem>>[vector<16xi32>], vector<16xf32>,
      %gather3A_456 = tpu.vector_load_idx %arg12[%while3A_143#7] : memref<4096xf32, #tpu.memory_space<vmem>>[vector<16xi32>], vector<16xf32>,
      %gather3A_457 = tpu.vector_load_idx %arg13[%while3A_143#7] : memref<4096xf32, #tpu.memory_space<vmem>>[vector<16xi32>], vector<16xf32>,
      %gather3A_458 = tpu.vector_load_idx %arg14[%while3A_143#7] : memref<4096xf32, #tpu.memory_space<vmem>>[vector<16xi32>], vector<16xf32>,
      %sub3A_459 = arith.subf %gather3A_456, %gather3A_453 : vector<16xf32>
      %sub3A_460 = arith.subf %gather3A_457, %gather3A_454 : vector<16xf32>
      %sub3A_461 = arith.subf %gather3A_458, %gather3A_455 : vector<16xf32>
      %mul3A_462 = arith.mulf %sub3A_459, %sub3A_459 : vector<16xf32>
      %mul3A_463 = arith.mulf %sub3A_460, %sub3A_460 : vector<16xf32>
      %add3A_464 = arith.addf %mul3A_462, %mul3A_463 : vector<16xf32>
      %mul3A_465 = arith.mulf %sub3A_461, %sub3A_461 : vector<16xf32>
      %add3A_466 = arith.addf %add3A_464, %mul3A_465 : vector<16xf32>
      %bitcast3A_467 = vector.bitcast %add3A_466 : vector<16xf32> to vector<16xi32>
      %shift_right_arithmetic3A_468 = arith.constant 1 : i32
      %shift_right_arithmetic3A_469 = vector.broadcast %shift_right_arithmetic3A_468 : i32 to vector<16xi32>
      %shift_right_arithmetic3A_470 = arith.shrsi %bitcast3A_467, %shift_right_arithmetic3A_469 : vector<16xi32>
      %sub3A_471 = arith.constant 1597463007 : i32
      %sub3A_472 = vector.broadcast %sub3A_471 : i32 to vector<16xi32>
      %sub3A_473 = arith.subi %sub3A_472, %shift_right_arithmetic3A_470 : vector<16xi32>
      %bitcast3A_474 = vector.bitcast %sub3A_473 : vector<16xi32> to vector<16xf32>
      %mul3A_475 = arith.constant 5.000000e-01 : f32
      %mul3A_476 = vector.broadcast %mul3A_475 : f32 to vector<16xf32>
      %mul3A_477 = arith.mulf %add3A_466, %mul3A_476 : vector<16xf32>
      %mul3A_478 = arith.mulf %mul3A_477, %bitcast3A_474 : vector<16xf32>
      %mul3A_479 = arith.mulf %mul3A_478, %bitcast3A_474 : vector<16xf32>
      %sub3A_480 = arith.constant 1.500000e+00 : f32
      %sub3A_481 = vector.broadcast %sub3A_480 : f32 to vector<16xf32>
      %sub3A_482 = arith.subf %sub3A_481, %mul3A_479 : vector<16xf32>
      %mul3A_483 = arith.mulf %bitcast3A_474, %sub3A_482 : vector<16xf32>
      %mul3A_484 = arith.mulf %mul3A_477, %mul3A_483 : vector<16xf32>
      %mul3A_485 = arith.mulf %mul3A_484, %mul3A_483 : vector<16xf32>
      %sub3A_486 = arith.constant 1.500000e+00 : f32
      %sub3A_487 = vector.broadcast %sub3A_486 : f32 to vector<16xf32>
      %sub3A_488 = arith.subf %sub3A_487, %mul3A_485 : vector<16xf32>
      %mul3A_489 = arith.mulf %mul3A_483, %sub3A_488 : vector<16xf32>
      %mul3A_490 = arith.mulf %mul3A_477, %mul3A_489 : vector<16xf32>
      %mul3A_491 = arith.mulf %mul3A_490, %mul3A_489 : vector<16xf32>
      %sub3A_492 = arith.constant 1.500000e+00 : f32
      %sub3A_493 = vector.broadcast %sub3A_492 : f32 to vector<16xf32>
      %sub3A_494 = arith.subf %sub3A_493, %mul3A_491 : vector<16xf32>
      %mul3A_495 = arith.mulf %mul3A_489, %sub3A_494 : vector<16xf32>
      %gt3A_496 = arith.constant 0.000000e+00 : f32
      %gt3A_497 = vector.broadcast %gt3A_496 : f32 to vector<16xf32>
      %gt3A_498 = arith.cmpf ogt, %add3A_466, %gt3A_497 : vector<16xf32>
      %mul3A_499 = arith.mulf %add3A_466, %mul3A_495 : vector<16xf32>
      %jit3A_500 = arith.constant 0.000000e+00 : f32
      %broadcast_in_dim3A_501 = vector.broadcast %jit3A_500 : f32 to vector<16xf32>
      %select_n3A_502 = arith.select %gt3A_498, %mul3A_499, %broadcast_in_dim3A_501 : vector<16xi1>, vector<16xf32>
      %sub3A_503 = arith.subf %select_n3A_452, %select_n3A_502 : vector<16xf32>
      %abs3A_504 = math.absf %sub3A_503 : vector<16xf32>
      %add3A_505 = arith.addf %add3A_414, %abs3A_504 : vector<16xf32>
      %sub3A_506 = arith.subf %add3A_505, %scan3A_46 : vector<16xf32>
      %add3A_507 = arith.addf %scan3A_45, %sub3A_506 : vector<16xf32>
      %sub3A_508 = arith.subf %add3A_507, %scan3A_45 : vector<16xf32>
      %sub3A_509 = arith.subf %sub3A_508, %sub3A_506 : vector<16xf32>
      scf.yield %add3A_507, %sub3A_509 : vector<16xf32>, vector<16xf32>
    }
    %scan3A_42 = arith.constant 128 : i32
    %swap3A = arith.constant 0 : index
    %swap3A_43 = tpu.vector_load %arg20[%swap3A] {strides = array<i32>} : memref<16xf32, #tpu.memory_space<vmem>>, vector<16xf32>,
    tpu.vector_store %arg20[%swap3A], %scan3A_41#0 {strides = array<i32>} : memref<16xf32, #tpu.memory_space<vmem>>, vector<16xf32>,
    "tpu.region"() ({
      %run_scoped3A = tpu.sem_alloc : memref<!tpu.dma_semaphore, #tpu.memory_space<semaphore_mem>>
      %dma_start3A = arith.constant 0 : i32
      %dma_start3A_44 = tpu.memref_slice %arg8[%add3A, %dma_start3A] : memref<32x16xf32, #tpu.memory_space<hbm>> -> memref<1x16xf32, #tpu.memory_space<hbm>>
      %dma_start3A_45 = tpu.memref_squeeze %dma_start3A_44 : memref<1x16xf32, #tpu.memory_space<hbm>> -> memref<16xf32, #tpu.memory_space<hbm>>
      %dma_start3A_46 = arith.constant 0 : i32
      %dma_start3A_47 = tpu.memref_slice %arg8[%add3A, %dma_start3A_46] : memref<32x16xf32, #tpu.memory_space<hbm>> -> memref<1x16xf32, #tpu.memory_space<hbm>>
      %dma_start3A_48 = tpu.memref_squeeze %dma_start3A_47 : memref<1x16xf32, #tpu.memory_space<hbm>> -> memref<16xf32, #tpu.memory_space<hbm>>
      tpu.enqueue_dma source(%arg20 : memref<16xf32, #tpu.memory_space<vmem>>) target(%dma_start3A_48 : memref<16xf32, #tpu.memory_space<hbm>>) target_semaphore(%run_scoped3A : memref<!tpu.dma_semaphore, #tpu.memory_space<semaphore_mem>>)
      %dma_wait3A = arith.constant 0 : i32
      %dma_wait3A_49 = tpu.memref_slice %arg8[%add3A, %dma_wait3A] : memref<32x16xf32, #tpu.memory_space<hbm>> -> memref<1x16xf32, #tpu.memory_space<hbm>>
      %dma_wait3A_50 = tpu.memref_squeeze %dma_wait3A_49 : memref<1x16xf32, #tpu.memory_space<hbm>> -> memref<16xf32, #tpu.memory_space<hbm>>
      %dma_wait3A_51 = arith.constant 0 : i32
      %dma_wait3A_52 = tpu.memref_slice %arg8[%add3A, %dma_wait3A_51] : memref<32x16xf32, #tpu.memory_space<hbm>> -> memref<1x16xf32, #tpu.memory_space<hbm>>
      %dma_wait3A_53 = tpu.memref_squeeze %dma_wait3A_52 : memref<1x16xf32, #tpu.memory_space<hbm>> -> memref<16xf32, #tpu.memory_space<hbm>>
      tpu.wait_dma2 semaphore(%run_scoped3A : memref<!tpu.dma_semaphore, #tpu.memory_space<semaphore_mem>>) src(%arg20 : memref<16xf32, #tpu.memory_space<vmem>>) dst(%dma_wait3A_53 : memref<16xf32, #tpu.memory_space<hbm>>)
      tpu.yield
    }) : () -> ()
    return
  }
}

</mosaic_0001>

<sc_bundles>
// kernel: _partials.3.cloned.1.call-start
scs
__scs_entry_jumppad:
0x0: {  	(pc) =	sbr.rel $0x88, $3  }
0x1: {  	(tag) =	ssettag $0x0;
	lr =	simm.s32 $0x1  }
0x2: {  	[smem:$0x3F9B] =	sst lr;
	_ =	strace $0xD0000000  }
0x3: {  	_ = 	snop  }
0x4: {  	_ = 	snop  }
0x5: {  	_ = 	snop  }
0x6: {  	_ = 	snop  }
0x7: {  	_ = 	snop  }
__scs_overlays_trampoline_lowered:
0x8: {  	[smem:$0x3FAA] =	sst s0  }
0x9: {  	[smem:$0x3FAB] =	sst s1  }
0xa: {  	[smem:$0x3FAC] =	sst s2  }
0xb: {  	[smem:$0x3FAD] =	sst s3  }
0xc: {  	[smem:$0x3FAE] =	sst s4  }
0xd: {  	[smem:$0x3FAF] =	sst s5  }
0xe: {  	[smem:$0x3FB0] =	sst s6  }
0xf: {  	[smem:$0x3FB1] =	sst s7  }
0x10: {  	[smem:$0x3FB2] =	sst s8  }
0x11: {  	[smem:$0x3FB3] =	sst s9;
	s0 =	simm.s32 @!p0 $0x0  }
0x12: {  	s1 =	sld [smem:$0x3F99];
	s0 =	simm.s32 @p0 $0x1  }
0x13: {  	[smem:$0x3FB4] =	sst s0;
	s0 =	simm.s32 @!p1 $0x0  }
0x14: {  	s2 =	sld [smem:$0x3F98];
	s0 =	simm.s32 @p1 $0x1  }
0x15: {  	[smem:$0x3FB5] =	sst s0;
	s0 =	simm.s32 @!p2 $0x0  }
0x16: {  	s3 =	sld [smem:$0x3FDB];
	s0 =	simm.s32 @p2 $0x1  }
0x17: {  	s4 =	simm.s32 $0x1BF5;
	[smem:$0x3FB7] =	sst s0  }
0x18: {  	s0 =	sld [smem:$0x3F9A];
	_ =	swait.ge [sflag:s4], $0x0  }
0x19: {  	s7 =	sld [smem:$0x3F9B]  }
0x1a: {  	s8 =	sadd.s32 $0xFFFFE003, lr  }
0x1b: {  	s9 =	sadd.s32 $0xFFFFFEF7, lr;
	s5 =	simm.s32 $0xFFFFFFFF;
	p2 =	slt.u32 s8, $0xFFFFF086  }
0x1c: {  	p1 =	slt.u32 s9, $0xF7A;
	s5 =	simm.s32 @!p2 $0x0  }
0x1d: {  	s5 =	simm.s32 @p1 $0x1;
	p0 =	seq.s32 s7, s2  }
0x1e: {  	s7 =	smul.u32 @!p0 $0xF7A, s2;
	p2 =	seq.s32 @!p0 s5, $0x0  }
0x1f: {  	s9 =	smul.u32 $0xF7A, s1;
	s8 =	simm.s32 @!p0 $0x1BF5;
	p2 =	por !p2, p0  }
0x20: {  	[sflag:s8] =	ssyncset.s32 @!p0 $0xFFFFF086;
	s6 =	sadd.s32 @!p0 s3, s7;
	s7 =	simm.s32 @!p0 $0x108  }
0x21: {  	s3 =	sadd.s32 s3, s9;
	s6 =	sadd.s32 @!p0 $0x88, s6;
	s7 =	simm.s32 @p2 $0x1082  }
0x22: {  	[simem:s7], [sflag:s8] =	dma.local @!p0 [hbm:s6], $0xF7A  }
0x23: {  	s9 =	sor.u32 $0xD0000000, s2;
	s6 =	simm.s32 $0x108;
	_ =	swait.ge @!p0 [sflag:s8], $0x0  }
0x24: {  	s3 =	sadd.s32 $0x88, s3;
	s6 =	simm.s32 @!p1 $0x1082;
	[sflag:s4] =	ssyncset.s32 $0xFFFFF086  }
0x25: {  	[simem:s6], [sflag:s4] =	dma.local [hbm:s3], $0xF7A  }
0x26: {  	[smem:$0x3F9B] =	sst s1;
	(tag) =	ssettag s2;
	_ =	strace s9  }
0x27: {  	s1 =	sld [smem:$0x3FAB]  }
0x28: {  	s2 =	sld [smem:$0x3FAC]  }
0x29: {  	s4 =	sld [smem:$0x3FAE]  }
0x2a: {  	p0 =	seq.s32 s5, $0x0;
	s5 =	sld [smem:$0x3FAF]  }
0x2b: {  	s6 =	sld [smem:$0x3FB0]  }
0x2c: {  	s7 =	sld [smem:$0x3FB1]  }
0x2d: {  	s3 =	simm.s32 $0x108;
	s8 =	sld [smem:$0x3FB2]  }
0x2e: {  	s3 =	simm.s32 @!p0 $0x1082;
	s9 =	sld [smem:$0x3FB3]  }
0x2f: {  	lr =	sadd.s32 s0, s3;
	s0 =	sld [smem:$0x3FAA]  }
0x30: {  	s3 =	sld [smem:$0x3FAD]  }
0x31: {  	[smem:$0x3FB6] =	sst s10  }
0x32: {  	s10 =	sld [smem:$0x3FB4];
	_ =	sdelay $0x3  }
0x33: {  	p0 =	seq.s32 s10, $0x1;
	s10 =	sld [smem:$0x3FB6];
	_ =	sdelay $0x3  }
0x34: {  	[smem:$0x3FB6] =	sst s10  }
0x35: {  	s10 =	sld [smem:$0x3FB5];
	_ =	sdelay $0x3  }
0x36: {  	p1 =	seq.s32 s10, $0x1;
	s10 =	sld [smem:$0x3FB6];
	_ =	sdelay $0x3  }
0x37: {  	[smem:$0x3FB6] =	sst s10  }
0x38: {  	s10 =	sld [smem:$0x3FB7]  }
0x39: {  	_ = 	snop;
	(pc) =	sbr.ind lr, $3  }
0x3a: {  	_ = 	snop  }
0x3b: {  	_ = 	snop  }
0x3c: {  	p2 =	seq.s32 s10, $0x1;
	s10 =	sld [smem:$0x3FB6]  }
0x3d: {  	_ =	shalt  }
0x3e: {  	_ =	shalt  }
0x3f: {  	_ =	shalt  }
0x40: {  	_ =	shalt  }
0x41: {  	_ =	shalt  }
0x42: {  	_ =	shalt  }
0x43: {  	_ =	shalt  }
0x44: {  	_ =	shalt  }
0x45: {  	_ =	shalt  }
0x46: {  	_ =	shalt  }
0x47: {  	_ =	shalt  }
0x48: {  	_ =	shalt  }
0x49: {  	_ =	shalt  }
0x4a: {  	_ =	shalt  }
0x4b: {  	_ =	shalt  }
0x4c: {  	_ =	shalt  }
0x4d: {  	_ =	shalt  }
0x4e: {  	_ =	shalt  }
0x4f: {  	_ =	shalt  }
0x50: {  	_ =	shalt  }
0x51: {  	_ =	shalt  }
0x52: {  	_ =	shalt  }
0x53: {  	_ =	shalt  }
0x54: {  	_ =	shalt  }
0x55: {  	_ =	shalt  }
0x56: {  	_ =	shalt  }
0x57: {  	_ =	shalt  }
0x58: {  	_ =	shalt  }
0x59: {  	_ =	shalt  }
0x5a: {  	_ =	shalt  }
0x5b: {  	_ =	shalt  }
0x5c: {  	_ =	shalt  }
0x5d: {  	_ =	shalt  }
0x5e: {  	_ =	shalt  }
0x5f: {  	_ =	shalt  }
0x60: {  	_ =	shalt  }
0x61: {  	_ =	shalt  }
0x62: {  	_ =	shalt  }
0x63: {  	_ =	shalt  }
0x64: {  	_ =	shalt  }
0x65: {  	_ =	shalt  }
0x66: {  	_ =	shalt  }
0x67: {  	_ =	shalt  }
0x68: {  	_ =	shalt  }
0x69: {  	_ =	shalt  }
0x6a: {  	_ =	shalt  }
0x6b: {  	_ =	shalt  }
0x6c: {  	_ =	shalt  }
0x6d: {  	_ =	shalt  }
0x6e: {  	_ =	shalt  }
0x6f: {  	_ =	shalt  }
0x70: {  	_ =	shalt  }
0x71: {  	_ =	shalt  }
0x72: {  	_ =	shalt  }
0x73: {  	_ =	shalt  }
0x74: {  	_ =	shalt  }
0x75: {  	_ =	shalt  }
0x76: {  	_ =	shalt  }
0x77: {  	_ =	shalt  }
0x78: {  	_ =	shalt  }
0x79: {  	_ =	shalt  }
0x7a: {  	_ =	shalt  }
0x7b: {  	_ =	shalt  }
0x7c: {  	_ =	shalt  }
0x7d: {  	_ =	shalt  }
0x7e: {  	_ =	shalt  }
0x7f: {  	_ =	shalt  }
0x80: {  	_ =	shalt  }
0x81: {  	_ =	shalt  }
0x82: {  	_ =	shalt  }
0x83: {  	_ =	shalt  }
0x84: {  	_ =	shalt  }
0x85: {  	_ =	shalt  }
0x86: {  	_ =	shalt  }
0x87: {  	_ =	shalt  }
.Lfunc_end0:
.L_simem_size_0:
called_computation_lowered:
.L_overlay_start_0:
0x88: {  	s2 =	sld [smem:$0x3FD9]  }
0x89: {  	s3 =	sld [smem:$0x3FFE];
	_ =	sdelay $0x1  }
0x8a: {  	s1 =	srdreg.scid  }
0x8b: {  	s0 =	sand.u32 $0x1, s1  }
0x8c: {  	s17 =	sshll.u32 s0, $0xA;
	s2 =	sadd.s32 s3, s2  }
0x8d: {  	s2 =	sadd.s32 s2, s17  }
0x8e: {  	[smem:$0x3FC2] =	sst s2  }
0x8f: {  	_ = 	snop  }
0x90: {  	s2 =	sld [smem:$0x3FC9]  }
0x91: {  	s18 =	sld [smem:$0x3FC8]  }
0x92: {  	s4 =	sld [smem:$0x3FC7]  }
0x93: {  	s5 =	sld [smem:$0x3FC6]  }
0x94: {  	s6 =	sld [smem:$0x3FC5]  }
0x95: {  	s7 =	sld [smem:$0x3FC4];
	(tm) =	ssettm $0x1  }
0x96: {  	s8 =	sld [smem:$0x3FFB];
	_ =	sdelay $0x3  }
0x97: {  	_ =	strace s8  }
0x98: {  	s8 =	sld [smem:$0x3FFC];
	_ =	sdelay $0x3  }
0x99: {  	_ =	strace s8  }
0x9a: {  	s8 =	sld [smem:$0x3FFD];
	_ =	sdelay $0x3  }
0x9b: {  	_ =	strace s8  }
0x9c: {  	_ =	strace $0x8FFFFFFF  }
0x9d: {  	s19 =	sld [smem:$0x3FDB];
	_ =	sdelay $0x1  }
0x9e: {  	s9 =	simm.s32 $_scs_section_size  }
0x9f: {  	s10 =	simm.s32 $_size__tile_overlayer_lowered;
	s11 =	simm.s32 $_tile_overlayer_lowered  }
0xa0: {  	s22 =	simm.s32 $0x1BFF;
	s21 =	sshll.u32 s11, $0x1;
	s8 =	sadd.s32 s9, s19  }
0xa1: {  	s12 =	simm.s32 $0x0;
	s20 =	sshll.u32 s10, $0x1;
	s10 =	sadd.s32 s21, s8  }
0xa2: {  	[timem:s12], [sflag:s22] =	dma.local [hbm:s10], s20  }
0xa3: {  	_ =	swait.ge [sflag:s22], s20  }
0xa4: {  	s9 =	ssub.s32 $0x0, s20;
	[sflag:s22] =	ssyncset.done $0x0  }
0xa5: {  	[sflag:s22] =	ssyncadd.s32 s9;
	_ =	sdelay $0x1  }
0xa6: {  	s23 =	simm.s32 $0x1B8B  }
0xa7: {  	_ =	swait.ge [sflag:s23], $0x1  }
0xa8: {  	[sflag:s23] =	ssyncset.done $0x0  }
0xa9: {  	s25 =	simm.s32 $0x1B8E;
	s24 =	sld [smem:$0x3FFE];
	[sflag:s23] =	ssyncadd.s32 $0xFFFFFFFF  }
0xaa: {  	s26 =	simm.s32 $execute0_lowered;
	[smem:$0x3FD2] =	sst s25  }
0xab: {  	s10 =	sshll.u32 s26, $0x1;
	_ =	strace $0x80000046;
	[dreg:$0x1] =	wrdreg $0xFFFFFFFF  }
0xac: {  	s28 =	simm.s32 $_size_execute0_lowered;
	s8 =	sadd.s32 s8, s10;
	[dreg:$0x0] =	wrdreg $0x0  }
0xad: {  	s10 =	sshll.u32 s28, $0x1;
	[dreg:$0x2] =	wrdreg s8  }
0xae: {  	[dreg:$0x3] =	wrdreg s10  }
0xaf: {  	[dreg:$0x4] =	wrdreg $0xC0  }
0xb0: {  	_ =	task [dreg:s12], $0x5FFFF  }
0xb1: {  	[dreg:$0x1] =	wrdreg $0xFFFFFFFF  }
0xb2: {  	[dreg:$0x0] =	wrdreg $0x60  }
0xb3: {  	[dreg:$0x2] =	wrdreg s2  }
0xb4: {  	[dreg:$0x3] =	wrdreg s18  }
0xb5: {  	[dreg:$0x4] =	wrdreg s4  }
0xb6: {  	[dreg:$0x5] =	wrdreg s5  }
0xb7: {  	[dreg:$0x6] =	wrdreg s6  }
0xb8: {  	[dreg:$0x7] =	wrdreg s7  }
0xb9: {  	[dreg:$0x8] =	wrdreg s24  }
0xba: {  	[dreg:$0x9] =	wrdreg $0x9  }
0xbb: {  	_ =	task.clear_ibuf [dreg:s12], $0xAFFFF;
	_ =	strace $0x90000046  }
0xbc: {  	s29 =	simm.s32 $0x9;
	_ =	strace $0x80000048  }
0xbd: {  	_ =	swait.ge [sflag:s29], $0x1  }
0xbe: {  	[sflag:s29] =	ssyncadd.s32 $0xFFFFFFFF  }
0xbf: {  	_ =	strace $0x90000048  }
0xc0: {  	_ =	sfence  }
0xc1: {  	s30 =	sld [smem:$0x0];
	_ =	sdelay $0x2  }
0xc2: {  	s31 =	sshll.u32 s1, $0xD;
	s1 =	sshrl.u32 s1, $0x2  }
0xc3: {  	s3 =	sand.u32 $0x4000, s31;
	s1 =	sadd.s32 s1, s30  }
0xc4: {  	s0 =	sor.u32 s3, s0;
	s1 =	sshll.u32 s1, $0x11  }
0xc5: {  	s0 =	sor.u32 s1, s0  }
0xc6: {  	s0 =	sadd.s32 $0x8F2B, s0  }
0xc7: {  	[sflag:s0] =	ssyncadd.remote.s32 $0x1  }
0xc8: {  	_ =	sfence.sel $0xFFFF  }
0xc9: {  	[dreg:$0x0] =	wrdreg $0xFFFFFFFF;
	(pc) =	sbr.abs _section_cstart, $3  }
0xca: {  	[dreg:$0x1] =	wrdreg $0xFFFFFFFF  }
0xcb: {  	_ =	task.clear_ibuf [dreg:s12], $0x2FFFF;
	_ =	strace $0x9FFFFFFF  }
0xcc: {  	(tm) =	ssettm $0x7FFFFFFF  }
0xcd: {  	_ =	shalt  }
tec
execute0_lowered:
.L_overlay_start_1:
0x0: {  	(tag) =	ssettag $0x1  }
0x1: {  	s0 =	rddreg [dreg:$0x0]  }
0x2: {  	s1 =	rddreg [dreg:$0x1]  }
0x3: {  	s4 =	rddreg [dreg:$0x2]  }
0x4: {  	s5 =	rddreg [dreg:$0x3]  }
0x5: {  	s6 =	rddreg [dreg:$0x4]  }
0x6: {  	s7 =	rddreg [dreg:$0x5]  }
0x7: {  	s3 =	rddreg [dreg:$0x6];
	s8 =	srdreg.scid  }
0x8: {  	s11 =	stileid.u32;
	s2 =	simm.s32 $0x0;
	s13 =	simm.s32 $0x1000  }
0x9: {  	s14 =	simm.s32 $0x2000;
	s15 =	simm.s32 $0x3000;
	s16 =	simm.s32 $0x4000  }
0xa: {  	s17 =	simm.s32 $0x5000;
	s18 =	simm.s32 $0x6000;
	s8 =	sand.u32 $0x1, s8  }
0xb: {  	s9 =	sshll.u32 s11, $0x1;
	[smem:$0x7FF] =	sst s2;
	s11 =	sshll.u32 s11, $0x7  }
0xc: {  	s9 =	sor.u32 s8, s9;
	_ =	strace $0x80000047;
	s23 =	sand.u32 $0x600, s11  }
0xd: {  	s8 =	ssub.s32 $0x2, s8;
	s10 =	sshll.u32 s9, $0x4;
	s0 =	sadd.s32 s0, s23  }
0xe: {  	s21 =	sshrl.u32 s8, $0x1;
	s24 =	sadd.s32 s1, s23;
	[dreg:$0x8] =	wrdreg s0  }
0xf: {  	s22 =	sshll.u32 s9, $0x9;
	s25 =	sadd.s32 s4, s23;
	[dreg:$0x9] =	wrdreg s24  }
0x10: {  	s26 =	sadd.s32 s5, s23;
	s28 =	sadd.s32 s6, s23;
	[dreg:$0xa] =	wrdreg s25  }
.Ltmp0:
0x11: {  	s29 =	sadd.s32 s7, s23;
	[dreg:$0xb] =	wrdreg s26;
	(pc) =	sbr.rel .LBB2_1-.Ltmp0, $4  }
0x12: {  	s1 =	simm.s32 $0x1;
	s10 =	sadd.s32 s10, s3;
	[dreg:$0xc] =	wrdreg s28  }
0x13: {  	s12 =	ssub.s32 s8, s21;
	[dreg:$0xd] =	wrdreg s29;
	s30 =	sadd.s32 $0x400, s10  }
0x14: {  	s4 =	simm.s32 $0x0;
	s31 =	smax.u32 s12, $0x1;
	[dreg:$0xe] =	wrdreg s30  }
0x15: {  	v0 =	vlaneseq.u32;
	s3 =	sand.u32 $0xE00, s22;
	s21 =	simm.s32 $0x0;
	[dreg:$0xf] =	wrdreg s31  }
.LBB2_18:
0x16: {  	[tilespmem:$0xB200] =	vst v19;
	s0 =	rddreg [dreg:$0xe];
	s1 =	simm.s32 $0xB200  }
0x17: {  	[hbm4b:s0+s2] =	stream.linear.scatter [tilespmem:s1], [sflag:$0x1], $0x80, $0x38;
	[tilespmem:$0xB280] =	vst v63  }
0x18: {  	s1 =	simm.s32 $0x1  }
0x19: {  	_ =	swait.ge [sflag:s1], $0x80  }
0x1a: {  	s4 =	rddreg [dreg:$0x10]  }
0x1b: {  	s31 =	rddreg [dreg:$0xf];
	s4 =	sadd.s32 $0x1, s4  }
0x1c: {  	p0 =	sne.s32 s4, s31  }
.Ltmp1:
0x1d: {  	_ = 	snop;
	(pc) =	sbr.rel @!p0 .LBB2_19-.Ltmp1, $3  }
0x1e: {  	_ =	sdelay $0x1  }
0x1f: {  	[sflag:s1] =	ssyncset.done $0x0  }
0x20: {  	[sflag:s1] =	ssyncadd.s32 $0xFFFFFF80  }
.LBB2_1:
0x21: {  	[dreg:$0x10] =	wrdreg s4  }
0x22: {  	s0 =	rddreg [dreg:$0x8]  }
0x23: {  	[tilespmem:s2], [sflag:$0x1] =	stream.linear.gather [hbm4b:s0+s2], $0x1000, $0x38;
	[tilespmem:$0xB280] =	vst v63  }
0x24: {  	_ =	swait.ge [sflag:s1], $0x1000  }
0x25: {  	[sflag:s1] =	ssyncset.done $0x0  }
0x26: {  	s25 =	rddreg [dreg:$0x9];
	[sflag:s1] =	ssyncadd.s32 $0xFFFFF000  }
0x27: {  	[tilespmem:s13], [sflag:$0x1] =	stream.linear.gather [hbm4b:s25+s2], $0x1000, $0x38;
	[tilespmem:$0xB280] =	vst v63  }
0x28: {  	_ =	swait.ge [sflag:s1], $0x1000  }
0x29: {  	[sflag:s1] =	ssyncset.done $0x0  }
0x2a: {  	s26 =	rddreg [dreg:$0xa];
	[sflag:s1] =	ssyncadd.s32 $0xFFFFF000  }
0x2b: {  	[tilespmem:s14], [sflag:$0x1] =	stream.linear.gather [hbm4b:s26+s2], $0x1000, $0x38;
	[tilespmem:$0xB280] =	vst v63  }
0x2c: {  	_ =	swait.ge [sflag:s1], $0x1000  }
0x2d: {  	[sflag:s1] =	ssyncset.done $0x0  }
0x2e: {  	s28 =	rddreg [dreg:$0xb];
	[sflag:s1] =	ssyncadd.s32 $0xFFFFF000  }
0x2f: {  	[tilespmem:s15], [sflag:$0x1] =	stream.linear.gather [hbm4b:s28+s2], $0x1000, $0x38;
	[tilespmem:$0xB280] =	vst v63  }
0x30: {  	_ =	swait.ge [sflag:s1], $0x1000  }
0x31: {  	[sflag:s1] =	ssyncset.done $0x0  }
0x32: {  	s29 =	rddreg [dreg:$0xc];
	[sflag:s1] =	ssyncadd.s32 $0xFFFFF000  }
0x33: {  	[tilespmem:s16], [sflag:$0x1] =	stream.linear.gather [hbm4b:s29+s2], $0x1000, $0x38;
	[tilespmem:$0xB280] =	vst v63  }
0x34: {  	_ =	swait.ge [sflag:s1], $0x1000  }
0x35: {  	[sflag:s1] =	ssyncset.done $0x0  }
0x36: {  	s30 =	rddreg [dreg:$0xd];
	[sflag:s1] =	ssyncadd.s32 $0xFFFFF000  }
0x37: {  	[tilespmem:s17], [sflag:$0x1] =	stream.linear.gather [hbm4b:s30+s2], $0x1000, $0x38;
	[tilespmem:$0xB280] =	vst v63  }
0x38: {  	_ =	swait.ge [sflag:s1], $0x1000  }
0x39: {  	[sflag:s1] =	ssyncset.done $0x0  }
0x3a: {  	s31 =	simm.s32 $0x20;
	[sflag:s1] =	ssyncadd.s32 $0xFFFFF000  }
0x3b: {  	s0 =	simm.s32 $0x1020;
	v1 =	vld [tilespmem:s31+$0x10]  }
0x3c: {  	v2 =	vld [tilespmem:s0+$0x10]  }
0x3d: {  	s4 =	simm.s32 $0x2020;
	v3 =	vld [tilespmem:s0+$0xFFFFFFE0]  }
0x3e: {  	v5 =	vld [tilespmem:s4+$0x10]  }
0x3f: {  	v8 =	vld [tilespmem:s0+$0xFFFFFFF0]  }
0x40: {  	v6 =	vld [tilespmem:s31+$0xFFFFFFF0]  }
0x41: {  	v11 =	vld [tilespmem:s31+$0x0];
	v1 =	vmul.f32 v1, v1;
	v7 =	vmul.f32 v2, v2  }
0x42: {  	v4 =	vld [tilespmem:s0+$0x0]  }
0x43: {  	v2 =	vld [tilespmem:s31+$0xFFFFFFE0];
	v12 =	vmul.f32 v5, v5;
	v9 =	vadd.f32 v7, v1  }
0x44: {  	v5 =	vld [tilespmem:s4+$0xFFFFFFE0];
	v10 =	vmul.f32 v8, v8  }
0x45: {  	v1 =	vmul.f32 v3, v3;
	v7 =	vmul.f32 v6, v6;
	v3 =	vld [tilespmem:s4+$0xFFFFFFF0];
	v9 =	vadd.f32 v12, v9  }
0x46: {  	s5 =	simm.s32 $0x0;
	s6 =	simm.s32 $0x60;
	s1 =	simm.s32 $0x6020;
	v8 =	vmul.f32 v11, v11;
	v6 =	vld [tilespmem:s4+$0x0]  }
.LBB2_2:
0x47: {  	v11 =	vld [tilespmem:s6+$0x10];
	v7 =	vadd.f32 v10, v7;
	v4 =	vmul.f32 v4, v4;
	[tilespmem:s1+$0x10] =	vst v9;
	s0 =	sadd.s32 $0x40, s0;
	v19 =	vimm.f32 $0.0e+00  }
0x48: {  	s5 =	sadd.s32 $0x4, s5;
	v9 =	vld [tilespmem:s0+$0x10];
	v2 =	vmul.f32 v2, v2  }
0x49: {  	s4 =	sadd.s32 $0x40, s4;
	p0 =	slt.u32 s5, $0xFC;
	v10 =	vld [tilespmem:s0+$0xFFFFFFE0];
	v5 =	vmul.f32 v5, v5;
	v4 =	vadd.f32 v4, v8  }
0x4a: {  	v8 =	vld [tilespmem:s4+$0x10];
	v1 =	vadd.f32 v1, v2;
	v2 =	vmul.f32 v3, v3  }
0x4b: {  	v3 =	vld [tilespmem:s6+$0xFFFFFFF0];
	v6 =	vmul.f32 v6, v6  }
0x4c: {  	v12 =	vld [tilespmem:s0+$0xFFFFFFF0];
	v5 =	vadd.f32 v5, v1;
	v7 =	vadd.f32 v2, v7  }
0x4d: {  	v11 =	vmul.f32 v11, v11;
	v13 =	vld [tilespmem:s6+$0x0];
	v9 =	vmul.f32 v9, v9;
	v6 =	vadd.f32 v6, v4  }
.Ltmp2:
0x4e: {  	v1 =	vmul.f32 v10, v10;
	v4 =	vld [tilespmem:s0+$0x0];
	[tilespmem:s1+$0xFFFFFFE0] =	vst v5;
	(pc) =	sbr.rel @p0 .LBB2_2-.Ltmp2, $4  }
0x4f: {  	v2 =	vld [tilespmem:s6+$0xFFFFFFE0];
	v9 =	vadd.f32 v9, v11;
	v8 =	vmul.f32 v8, v8;
	[tilespmem:s1+$0xFFFFFFF0] =	vst v7  }
0x50: {  	v5 =	vld [tilespmem:s4+$0xFFFFFFE0];
	v7 =	vmul.f32 v3, v3;
	[tilespmem:s1+$0x0] =	vst v6  }
0x51: {  	v3 =	vld [tilespmem:s4+$0xFFFFFFF0];
	v10 =	vmul.f32 v12, v12;
	v9 =	vadd.f32 v8, v9  }
0x52: {  	s6 =	sadd.s32 $0x40, s6;
	s1 =	sadd.s32 $0x40, s1;
	v6 =	vld [tilespmem:s4+$0x0];
	v8 =	vmul.f32 v13, v13  }
0x53: {  	_ = 	snop  }
0x54: {  	v2 =	vmul.f32 v2, v2;
	_ =	sdelay $0x1  }
0x55: {  	v4 =	vmul.f32 v4, v4;
	v5 =	vmul.f32 v5, v5;
	v1 =	vadd.f32 v1, v2  }
0x56: {  	v2 =	vadd.f32 v10, v7;
	v3 =	vmul.f32 v3, v3  }
.Ltmp3:
0x57: {  	v4 =	vadd.f32 v4, v8;
	v6 =	vmul.f32 v6, v6;
	v1 =	vadd.f32 v5, v1;
	(pc) =	sbr.rel .LBB2_4-.Ltmp3, $4  }
0x58: {  	[tilespmem:s1+$0x10] =	vst v9;
	v2 =	vadd.f32 v3, v2  }
0x59: {  	v3 =	vadd.f32 v6, v4;
	[tilespmem:s1+$0xFFFFFFE0] =	vst v1  }
0x5a: {  	[tilespmem:s1+$0xFFFFFFF0] =	vst v2  }
0x5b: {  	s22 =	simm.s32 $0x0;
	v1 =	vimm.f32 $0.0e+00;
	[tilespmem:s1+$0x0] =	vst v3  }
.LBB2_9:
0x5c: {  	v26 =	vld [tilespmem:$0x1FFD0]  }
0x5d: {  	v27 =	vld [tilespmem:$0x1FFB0]  }
0x5e: {  	v24 =	vld [tilespmem:$0x1FFC0]  }
0x5f: {  	v11 =	vld [tilespmem:$0x1FF90]  }
0x60: {  	v16 =	vld [tilespmem:$0x1FFA0]  }
.LBB2_17:
0x61: {  	_ =	sdelay $0x3  }
0x62: {  	v1 =	vld.idx.msk [tilespmem:v6+s15+$0x0], $0xffff  }
0x63: {  	v3 =	vld.idx.msk [tilespmem:v6+s16+$0x0], $0xffff  }
0x64: {  	v7 =	vld.idx.msk [tilespmem:v25+s15+$0x0], $0xffff  }
0x65: {  	v8 =	vld.idx.msk [tilespmem:v25+s16+$0x0], $0xffff  }
0x66: {  	v9 =	vld.idx.msk [tilespmem:v6+s17+$0x0], $0xffff  }
0x67: {  	v10 =	vld.idx.msk [tilespmem:v25+s17+$0x0], $0xffff;
	_ =	sdelay $0x2  }
0x68: {  	v50 =	vld.idx.msk [tilespmem:v6+s18+$0x0], $0xffff;
	v1 =	vsub.f32 v7, v1;
	v3 =	vsub.f32 v8, v3  }
0x69: {  	v52 =	vld.idx.msk [tilespmem:v5+s18+$0x0], $0xffff  }
0x6a: {  	v53 =	vld.idx.msk [tilespmem:v5+s15+$0x0], $0xffff;
	v51 =	vsub.f32 v10, v9;
	v1 =	vmul.f32 v1, v1;
	v3 =	vmul.f32 v3, v3  }
0x6b: {  	v12 =	vld.idx.msk [tilespmem:v23+s15+$0x0], $0xffff  }
0x6c: {  	v1 =	vadd.f32 v3, v1;
	v3 =	vmul.f32 v51, v51  }
0x6d: {  	v54 =	vld.idx.msk [tilespmem:v5+s16+$0x0], $0xffff  }
0x6e: {  	v6 =	vadd.f32 v50, v11;
	v56 =	vadd.f32 v3, v1;
	v1 =	vld.idx.msk [tilespmem:v23+s16+$0x0], $0xffff  }
0x6f: {  	v14 =	vld.idx.msk [tilespmem:v5+s17+$0x0], $0xffff;
	v5 =	vadd.f32 v52, v16  }
0x70: {  	v57 =	vld.idx.msk [tilespmem:v23+s17+$0x0], $0xffff;
	v9 =	vsub.f32 v12, v53;
	v55 =	vshra.s32 v6, $0x1;
	v11 =	vmul.f32 $5.000000000e-01, v6  }
0x71: {  	v17 =	vshra.s32 v5, $0x1;
	v18 =	vmul.f32 $5.000000000e-01, v5;
	v13 =	vsub.s32 $0x5F3759DF, v55  }
0x72: {  	v3 =	vmul.f32 v13, v11;
	v15 =	vshra.s32 v56, $0x1;
	v16 =	vmul.f32 $5.000000000e-01, v56  }
0x73: {  	v9 =	vmul.f32 v9, v9;
	v15 =	vsub.s32 $0x5F3759DF, v15;
	v1 =	vsub.f32 v1, v54  }
0x74: {  	v17 =	vsub.s32 $0x5F3759DF, v17;
	v3 =	vmul.f32 v13, v3;
	v58 =	vmul.f32 v15, v16  }
0x75: {  	v8 =	vsub.f32 v57, v14;
	v59 =	vmul.f32 v17, v18;
	v1 =	vmul.f32 v1, v1  }
0x76: {  	v3 =	vsub.f32 $1.500000000e+00, v3;
	v10 =	vmul.f32 v15, v58  }
0x77: {  	v8 =	vmul.f32 v8, v8;
	v12 =	vmul.f32 v17, v59;
	v1 =	vadd.f32 v1, v9  }
0x78: {  	v3 =	vmul.f32 v13, v3;
	v60 =	vsub.f32 $1.500000000e+00, v10  }
0x79: {  	v28 =	vld.idx.msk [tilespmem:v4+s18+$0x0], $0xffff;
	v61 =	vsub.f32 $1.500000000e+00, v12;
	v8 =	vadd.f32 v8, v1  }
0x7a: {  	v20 =	vld.idx.msk [tilespmem:v4+s15+$0x0], $0xffff;
	v9 =	vmul.f32 v15, v60;
	v1 =	vmul.f32 v3, v11  }
0x7b: {  	v21 =	vld.idx.msk [tilespmem:v4+s16+$0x0], $0xffff;
	v10 =	vmul.f32 v17, v61;
	v62 =	vshra.s32 v8, $0x1;
	v63 =	vmul.f32 $5.000000000e-01, v8  }
0x7c: {  	v29 =	vld.idx.msk [tilespmem:v4+s17+$0x0], $0xffff;
	v25 =	vmul.f32 v9, v16;
	v1 =	vmul.f32 v1, v3;
	v12 =	vsub.s32 $0x5F3759DF, v62  }
0x7d: {  	v31 =	vld.idx.msk [tilespmem:v22+s16+$0x0], $0xffff;
	v17 =	vmul.f32 v10, v18;
	v19 =	vmul.f32 v12, v63  }
0x7e: {  	v32 =	vld.idx.msk [tilespmem:v22+s17+$0x0], $0xffff;
	v14 =	vmul.f32 v25, v9;
	v1 =	vsub.f32 $1.500000000e+00, v1  }
0x7f: {  	v30 =	vld.idx.msk [tilespmem:v22+s15+$0x0], $0xffff;
	v17 =	vmul.f32 v17, v10;
	v19 =	vmul.f32 v12, v19  }
0x80: {  	v35 =	vld.idx.msk [tilespmem:v2+s17+$0x0], $0xffff;
	v1 =	vmul.f32 v1, v3;
	v3 =	vsub.f32 $1.500000000e+00, v14  }
0x81: {  	v34 =	vld.idx.msk [tilespmem:v24+s16+$0x0], $0xffff;
	v17 =	vsub.f32 $1.500000000e+00, v17;
	v19 =	vsub.f32 $1.500000000e+00, v19  }
0x82: {  	v36 =	vld.idx.msk [tilespmem:v24+s17+$0x0], $0xffff;
	v21 =	vsub.f32 v31, v21;
	v3 =	vmul.f32 v3, v9  }
0x83: {  	v4 =	vsub.f32 v32, v29;
	v10 =	vmul.f32 v17, v10;
	v17 =	vld.idx.msk [tilespmem:v2+s15+$0x0], $0xffff;
	v12 =	vmul.f32 v12, v19  }
0x84: {  	v21 =	vmul.f32 v21, v21;
	v14 =	vsub.f32 v30, v20;
	v20 =	vld.idx.msk [tilespmem:v24+s15+$0x0], $0xffff;
	v16 =	vmul.f32 v3, v16  }
0x85: {  	v18 =	vmul.f32 v10, v18;
	v19 =	vld.idx.msk [tilespmem:v2+s16+$0x0], $0xffff;
	v33 =	vmul.f32 v12, v63  }
0x86: {  	v4 =	vmul.f32 v4, v4;
	v16 =	vmul.f32 v16, v3  }
0x87: {  	v15 =	vadd.f32 v28, v27;
	v18 =	vmul.f32 v18, v10;
	v22 =	vmul.f32 v33, v12  }
0x88: {  	v11 =	vmul.f32 v1, v11;
	v9 =	vsub.f32 v36, v35;
	v16 =	vsub.f32 $1.500000000e+00, v16  }
0x89: {  	v14 =	vmul.f32 v14, v14;
	v2 =	vld.idx.msk [tilespmem:v2+s18+$0x0], $0xffff;
	v37 =	vsub.f32 $1.500000000e+00, v18;
	v18 =	vsub.f32 $1.500000000e+00, v22  }
0x8a: {  	v3 =	vmul.f32 v16, v3;
	v16 =	vsub.f32 v20, v17;
	v17 =	vsub.f32 v34, v19  }
0x8b: {  	v11 =	vmul.f32 v11, v1;
	v14 =	vadd.f32 v21, v14;
	v12 =	vmul.f32 v18, v12  }
0x8c: {  	v18 =	vshra.s32 v15, $0x1;
	v38 =	vmul.f32 v16, v16;
	v16 =	vmul.f32 v17, v17  }
0x8d: {  	v4 =	vadd.f32 v4, v14;
	v17 =	vsub.s32 $0x5F3759DF, v18;
	v18 =	vmul.f32 $5.000000000e-01, v15  }
0x8e: {  	v9 =	vmul.f32 v9, v9;
	v2 =	vadd.f32 v2, v26;
	v14 =	vadd.f32 v16, v38  }
0x8f: {  	v19 =	vshra.s32 v4, $0x1;
	v20 =	vmul.f32 $5.000000000e-01, v4;
	v16 =	vmul.f32 v17, v18  }
0x90: {  	v19 =	vsub.s32 $0x5F3759DF, v19;
	v39 =	vshra.s32 v2, $0x1;
	v9 =	vadd.f32 v9, v14  }
0x91: {  	v40 =	vmul.f32 $5.000000000e-01, v2;
	v21 =	vsub.s32 $0x5F3759DF, v39;
	v41 =	vmul.f32 v17, v16  }
0x92: {  	v16 =	vmul.f32 v19, v20;
	v43 =	vshra.s32 v9, $0x1;
	v44 =	vmul.f32 $5.000000000e-01, v9  }
0x93: {  	v11 =	vsub.f32 $1.500000000e+00, v11;
	v42 =	vmul.f32 v21, v40;
	v24 =	vsub.s32 $0x5F3759DF, v43  }
0x94: {  	v14 =	vsub.f32 $1.500000000e+00, v41;
	v16 =	vmul.f32 v19, v16;
	v45 =	vmul.f32 v24, v44  }
0x95: {  	v1 =	vmul.f32 v11, v1;
	v23 =	vmul.f32 v21, v42  }
0x96: {  	v46 =	vmul.f32 v17, v14;
	v47 =	vsub.f32 $1.500000000e+00, v16;
	v17 =	vmul.f32 v24, v45  }
0x97: {  	vm0 =	vgt.f32 v6, $0.0e+00;
	v10 =	vmul.f32 v37, v10;
	v16 =	vsub.f32 $1.500000000e+00, v23  }
0x98: {  	v1 =	vmul.f32 v1, v6;
	v14 =	vmul.f32 v19, v47;
	v17 =	vsub.f32 $1.500000000e+00, v17  }
0x99: {  	vm10 =	vgt.f32 v5, $0.0e+00;
	v16 =	vmul.f32 v21, v16;
	v19 =	vmul.f32 v46, v18  }
0x9a: {  	vm1 =	vgt.f32 v56, $0.0e+00;
	v48 =	vmul.f32 v14, v20;
	v17 =	vmul.f32 v24, v17  }
0x9b: {  	vm12 =	vgt.f32 v15, $0.0e+00;
	v49 =	vmul.f32 v16, v40;
	v19 =	vmul.f32 v19, v46  }
0x9c: {  	vm11 =	vgt.f32 v8, $0.0e+00;
	v21 =	vmul.f32 v48, v14;
	v51 =	vmul.f32 v17, v44  }
0x9d: {  	v3 =	vmul.f32 v3, v56;
	v50 =	vmul.f32 v49, v16;
	v52 =	vsub.f32 $1.500000000e+00, v19  }
0x9e: {  	v13 =	vmul.f32 v12, v63;
	v19 =	vsub.f32 $1.500000000e+00, v21;
	v53 =	vmul.f32 v51, v17  }
0x9f: {  	v1 =	vnsel vm0, $0x0, v1;
	v6 =	vsub.f32 $1.500000000e+00, v50;
	v54 =	vmul.f32 v52, v46  }
0xa0: {  	v13 =	vmul.f32 v13, v12;
	v55 =	vmul.f32 v19, v14;
	v56 =	vsub.f32 $1.500000000e+00, v53  }
0xa1: {  	v3 =	vnsel vm1, $0x0, v3;
	v6 =	vmul.f32 v6, v16;
	v57 =	vmul.f32 v54, v18  }
0xa2: {  	v1 =	vsub.f32 v1, v3;
	v16 =	vmul.f32 v55, v20;
	v3 =	vmul.f32 v56, v17  }
0xa3: {  	vm13 =	vgt.f32 v4, $0.0e+00;
	v58 =	vmul.f32 v57, v54;
	v60 =	vmul.f32 v6, v40  }
0xa4: {  	v13 =	vsub.f32 $1.500000000e+00, v13;
	v59 =	vmul.f32 v16, v55;
	v16 =	vmul.f32 v3, v44  }
0xa5: {  	v10 =	vmul.f32 v10, v5;
	v5 =	vsub.f32 $1.500000000e+00, v58;
	v14 =	vmul.f32 v60, v6  }
0xa6: {  	v12 =	vmul.f32 v13, v12;
	v13 =	vsub.f32 $1.500000000e+00, v59;
	v16 =	vmul.f32 v16, v3  }
0xa7: {  	v10 =	vnsel vm10, $0x0, v10;
	v5 =	vmul.f32 v5, v54;
	v62 =	vsub.f32 $1.500000000e+00, v14  }
0xa8: {  	v12 =	vmul.f32 v12, v8;
	v61 =	vmul.f32 v13, v55;
	v63 =	vsub.f32 $1.500000000e+00, v16  }
0xa9: {  	vm14 =	vgt.f32 v2, $0.0e+00;
	v5 =	vmul.f32 v5, v15;
	v6 =	vmul.f32 v62, v6  }
0xaa: {  	v8 =	vnsel vm11, $0x0, v12;
	v7 =	vmul.f32 v61, v4;
	v3 =	vmul.f32 v63, v3  }
0xab: {  	v1 =	vand.u32 $0x7FFFFFFF, v1;
	v8 =	vsub.f32 v10, v8;
	v5 =	vnsel vm12, $0x0, v5  }
0xac: {  	v6 =	vmul.f32 v6, v2;
	v4 =	vnsel vm13, $0x0, v7;
	v3 =	vmul.f32 v3, v9  }
0xad: {  	vm15 =	vgt.f32 v9, $0.0e+00;
	v8 =	vand.u32 $0x7FFFFFFF, v8;
	v4 =	vsub.f32 v5, v4  }
0xae: {  	v1 =	vadd.f32 v8, v1;
	v2 =	vnsel vm14, $0x0, v6;
	v3 =	vnsel vm15, $0x0, v3  }
0xaf: {  	v4 =	vand.u32 $0x7FFFFFFF, v4;
	v2 =	vsub.f32 v2, v3  }
0xb0: {  	v1 =	vadd.f32 v4, v1  }
0xb1: {  	v2 =	vand.u32 $0x7FFFFFFF, v2  }
0xb2: {  	v1 =	vadd.f32 v2, v1;
	v2 =	vld [tilespmem:$0x1FFE0];
	_ =	sdelay $0x4  }
0xb3: {  	v1 =	vsub.f32 v1, v2;
	v2 =	vld [tilespmem:$0x1FFF0];
	_ =	sdelay $0x2  }
0xb4: {  	s22 =	sadd.s32 $0x1, s22  }
0xb5: {  	p0 =	sne.s32 s22, $0x80  }
.Ltmp4:
0xb6: {  	v19 =	vadd.f32 v1, v2;
	(pc) =	sbr.rel @!p0 .LBB2_18-.Ltmp4, $3  }
0xb7: {  	_ = 	snop  }
0xb8: {  	v2 =	vsub.f32 v19, v2;
	_ =	sdelay $0x1  }
0xb9: {  	v1 =	vsub.f32 v2, v1  }
.LBB2_4:
0xba: {  	s0 =	sshll.u32 s22, $0x2  }
0xbb: {  	s0 =	sadd.s32 s3, s0  }
0xbc: {  	v6 =	vmov s0;
	_ =	sdelay $0x1  }
0xbd: {  	s1 =	simm.s32 $0x2000;
	v20 =	vld [tilespmem:s21+$0x0]  }
0xbe: {  	s24 =	simm.s32 $0x1000;
	v3 =	vld [tilespmem:s1+$0x0];
	v5 =	vor.u32 $0x1, v6  }
0xbf: {  	v21 =	vld [tilespmem:s24+$0x0]  }
0xc0: {  	v7 =	vld.idx.msk [tilespmem:v6+s21+$0x0], $0xffff  }
0xc1: {  	v4 =	vor.u32 $0x2, v6;
	v13 =	vld.idx.msk [tilespmem:v6+s24+$0x0], $0xffff  }
0xc2: {  	v8 =	vld.idx.msk [tilespmem:v6+s1+$0x0], $0xffff  }
0xc3: {  	v2 =	vor.u32 $0x3, v6;
	v14 =	vld.idx.msk [tilespmem:v5+s21+$0x0], $0xffff  }
0xc4: {  	v15 =	vld.idx.msk [tilespmem:v5+s24+$0x0], $0xffff  }
0xc5: {  	v9 =	vld.idx.msk [tilespmem:v5+s1+$0x0], $0xffff  }
0xc6: {  	v16 =	vld.idx.msk [tilespmem:v4+s21+$0x0], $0xffff  }
0xc7: {  	v17 =	vld.idx.msk [tilespmem:v4+s24+$0x0], $0xffff  }
0xc8: {  	v10 =	vld.idx.msk [tilespmem:v2+s21+$0x0], $0xffff  }
0xc9: {  	v11 =	vld.idx.msk [tilespmem:v2+s24+$0x0], $0xffff  }
0xca: {  	v18 =	vld.idx.msk [tilespmem:v4+s1+$0x0], $0xffff;
	v23 =	vmul.f32 v20, v7;
	v24 =	vmul.f32 v21, v13  }
0xcb: {  	v22 =	vmul.f32 v3, v8;
	v25 =	vmul.f32 v20, v14  }
0xcc: {  	s25 =	simm.s32 $0x6000;
	v12 =	vld.idx.msk [tilespmem:v2+s1+$0x0], $0xffff;
	v26 =	vmul.f32 v21, v15;
	v27 =	vmul.f32 v20, v16;
	v23 =	vadd.f32 v24, v23  }
0xcd: {  	v28 =	vld [tilespmem:s25+$0x0];
	v20 =	vmul.f32 v20, v10;
	v24 =	vmul.f32 v21, v17  }
0xce: {  	v25 =	vadd.f32 v26, v25;
	v26 =	vmul.f32 v3, v9;
	v22 =	vadd.f32 v22, v23  }
0xcf: {  	v21 =	vmul.f32 v21, v11;
	v23 =	vadd.f32 v24, v27;
	v24 =	vmul.f32 v3, v18  }
0xd0: {  	v29 =	vor.u32 s21, v0;
	s28 =	simm.s32 $0x10;
	v25 =	vadd.f32 v26, v25;
	v22 =	vadd.f32 v22, v22  }
0xd1: {  	s26 =	simm.s32 $0x2010;
	v20 =	vadd.f32 v21, v20;
	v3 =	vmul.f32 v3, v12;
	v27 =	vld [tilespmem:s28+$0x0];
	v21 =	vadd.f32 v24, v23  }
0xd2: {  	s29 =	simm.s32 $0x1010;
	vm0 =	veq.s32 v29, v6;
	v26 =	vld [tilespmem:s26+$0x0];
	v23 =	vadd.f32 v25, v25;
	v22 =	vsub.f32 v28, v22  }
0xd3: {  	vm1 =	veq.s32 v29, v5;
	vm2 =	veq.s32 v29, v4;
	v24 =	vld [tilespmem:s29+$0x0];
	v3 =	vadd.f32 v3, v20  }
0xd4: {  	v20 =	vadd.f32 v21, v21;
	v21 =	vsub.f32 v28, v23;
	v22 =	vsel vm0, $0x7F61B1E6, v22  }
0xd5: {  	vm3 =	veq.s32 v29, v2;
	v3 =	vadd.f32 v3, v3;
	(xrf1) =	vsort.dscd.msk.f32 $0xffff, v22, v29  }
0xd6: {  	v25 =	vmul.f32 v27, v14;
	v20 =	vsub.f32 v28, v20;
	v21 =	vsel vm1, $0x7F61B1E6, v21  }
0xd7: {  	v23 =	vmul.f32 v26, v8;
	v3 =	vsub.f32 v28, v3;
	(xrf1) =	vsort.dscd.msk.f32 $0xffff, v21, v29  }
0xd8: {  	v22 =	vmul.f32 v27, v7;
	v21 =	vmul.f32 v24, v13;
	v20 =	vsel vm2, $0x7F61B1E6, v20  }
0xd9: {  	v28 =	vmul.f32 v27, v16;
	v3 =	vsel vm3, $0x7F61B1E6, v3;
	(xrf1) =	vsort.dscd.msk.f32 $0xffff, v20, v29;
	v20 =	vmul.f32 v24, v15  }
0xda: {  	s30 =	simm.s32 $0x6010;
	v31 =	vimm.f32 $3.000000010e+38;
	v21 =	vadd.f32 v21, v22;
	v22 =	vmul.f32 v24, v17;
	(xrf1) =	vsort.dscd.msk.f32 $0xffff, v3, v29  }
0xdb: {  	v30 =	vmul.f32 v26, v9;
	v27 =	vmul.f32 v27, v10;
	v3 =	vld [tilespmem:s30+$0x0];
	v25 =	vadd.f32 v20, v25  }
0xdc: {  	v21 =	vadd.f32 v23, v21;
	v22 =	vadd.f32 v22, v28;
	v28 =	vmul.f32 v26, v18  }
0xdd: {  	s31 =	simm.s32 $0x2020;
	v29 =	vor.u32 s28, v0;
	v24 =	vmul.f32 v24, v11;
	v25 =	vadd.f32 v30, v25  }
0xde: {  	s0 =	simm.s32 $0x20;
	v20 =	vld [tilespmem:s31+$0x0];
	vm8 =	veq.s32 v29, v6;
	v30 =	vadd.f32 v21, v21;
	v22 =	vadd.f32 v28, v22  }
0xdf: {  	v23 =	vld [tilespmem:s0+$0x0];
	v24 =	vadd.f32 v24, v27;
	v26 =	vmul.f32 v26, v12;
	v25 =	vadd.f32 v25, v25  }
0xe0: {  	vm9 =	veq.s32 v29, v5;
	v28 =	vsub.f32 v3, v30;
	v22 =	vadd.f32 v22, v22  }
0xe1: {  	vm10 =	veq.s32 v29, v4;
	v24 =	vadd.f32 v26, v24;
	v25 =	vsub.f32 v3, v25  }
0xe2: {  	s1 =	simm.s32 $0x1020;
	vm11 =	veq.s32 v29, v2;
	v27 =	vsel vm8, $0x7F61B1E6, v28;
	v22 =	vsub.f32 v3, v22  }
0xe3: {  	v21 =	vld [tilespmem:s1+$0x0];
	v30 =	vmul.f32 v20, v8;
	v24 =	vadd.f32 v24, v24;
	v25 =	vsel vm9, $0x7F61B1E6, v25;
	v26, v32, _ =	vpop (xrf1);
	(xrf1) =	vsort.dscd.msk.f32 $0xffff, v27, v29  }
0xe4: {  	v33 =	vmul.f32 v23, v14;
	v22 =	vsel vm10, $0x7F61B1E6, v22;
	(xrf1) =	vsort.dscd.msk.f32 $0xffff, v25, v29;
	vm12 =	vle.f32 v31, v26  }
0xe5: {  	v28 =	vmul.f32 v23, v7;
	v34, v35, _ =	vpop (xrf1);
	v25 =	vimm.s32 $0x0;
	(xrf1) =	vsort.dscd.msk.f32 $0xffff, v22, v29;
	v22 =	vsel vm12, v31, v26  }
0xe6: {  	v3 =	vsub.f32 v3, v24;
	vm13 =	vle.f32 v31, v34;
	v32 =	vsel vm12, v25, v32  }
0xe7: {  	v26, v36, _ =	vpop (xrf1);
	v34 =	vsel vm13, v31, v34;
	v35 =	vsel vm13, v25, v35;
	(xrf1) =	vsort.ascd.msk.f32 $0xffff, v22, v32  }
0xe8: {  	v27 =	vmul.f32 v21, v13;
	vm14 =	vle.f32 v31, v26;
	(xrf1) =	vsort.ascd.msk.f32 $0xffff, v34, v35;
	v22, v24, _ =	vpop (xrf1)  }
0xe9: {  	v26 =	vsel vm14, v31, v26;
	v63 =	vsel vm14, v25, v36;
	vm15 =	vle.f32 v31, v22  }
0xea: {  	(xrf1) =	vsort.ascd.msk.f32 $0xffff, v26, v63;
	v22 =	vsel vm15, v31, v22;
	v24 =	vsel vm15, v25, v24  }
0xeb: {  	v3 =	vsel vm11, $0x7F61B1E6, v3;
	v28 =	vadd.f32 v27, v28;
	v25 =	vmul.f32 v21, v15;
	(xrf1) =	vsort.ascd.msk.f32 $0xffff, v22, v24  }
0xec: {  	s4 =	simm.s32 $0x6020;
	v26 =	vmul.f32 v23, v16;
	v31 =	vmul.f32 v21, v17;
	(xrf1) =	vsort.dscd.msk.f32 $0xffff, v3, v29  }
0xed: {  	[tilespmem:$0x1FFF0] =	vst v19;
	v19 =	vld [tilespmem:s4+$0x0];
	v27 =	vmul.f32 v20, v9;
	v22 =	vor.u32 s0, v0;
	v24 =	vadd.f32 v25, v33  }
0xee: {  	s5 =	simm.s32 $0x2030;
	s19 =	simm.s32 $0x30;
	[tilespmem:$0x1FFE0] =	vst v1;
	v25 =	vadd.f32 v30, v28;
	v26 =	vadd.f32 v31, v26;
	v28 =	vmul.f32 v20, v18  }
.LBB2_5:
0xef: {  	v29 =	vld [tilespmem:s5+$0x0];
	p0 =	sne.s32 s19, $0xF0;
	vm1 =	veq.s32 v22, v6;
	v24 =	vadd.f32 v27, v24;
	vm2 =	veq.s32 v22, v5;
	s0 =	sadd.s32 $0x10, s0  }
0xf0: {  	vm3 =	veq.s32 v22, v4;
	s1 =	sadd.s32 $0x10, s1;
	v27 =	vld [tilespmem:s0+$0x0];
	v25 =	vadd.f32 v25, v25;
	v26 =	vadd.f32 v28, v26  }
0xf1: {  	v23 =	vmul.f32 v23, v10;
	v39 =	vmul.f32 v21, v11;
	v24 =	vadd.f32 v24, v24;
	v21 =	vld [tilespmem:s1+$0x0];
	v30, v31, _ =	vpop (xrf1)  }
0xf2: {  	vm0 =	veq.s32 v22, v2;
	v38 =	vsub.f32 v19, v25;
	v26 =	vadd.f32 v26, v26;
	v32, v33, _ =	vpop (xrf1)  }
0xf3: {  	v37 =	vmul.f32 v20, v12;
	v23 =	vadd.f32 v39, v23;
	v40 =	vsub.f32 v19, v24;
	v34, v35, _ =	vpop (xrf1)  }
0xf4: {  	v36 =	vmul.f32 v29, v8;
	v1 =	vsel vm1, $0x7F61B1E6, v38;
	v26 =	vsub.f32 v19, v26;
	v20 =	vmovc v29  }
0xf5: {  	v41 =	vadd.f32 v37, v23;
	v29 =	vmul.f32 v27, v7;
	v3 =	vsel vm2, $0x7F61B1E6, v40;
	(xrf1) =	vsort.dscd.msk.f32 $0xffff, v1, v22;
	v25, v28, _ =	vpop (xrf1)  }
0xf6: {  	v38 =	vmul.f32 v27, v14;
	v37 =	vmul.f32 v21, v13;
	v42 =	vsel vm3, $0x7F61B1E6, v26;
	(xrf1) =	vsort.dscd.msk.f32 $0xffff, v3, v22;
	v24, v39, _ =	vpop (xrf1)  }
0xf7: {  	v40 =	vadd.f32 v41, v41;
	v23 =	vmovc v27;
	vm1 =	vle.f32 v25, v30;
	(xrf1) =	vsort.dscd.msk.f32 $0xffff, v42, v22  }
0xf8: {  	v41 =	vsel vm1, v25, v30;
	v1 =	vsel vm1, v28, v31;
	vm1 =	vle.f32 v24, v32;
	v27, v28, _ =	vpop (xrf1)  }
0xf9: {  	v31 =	vsel vm1, v24, v32;
	v3 =	vsel vm1, v39, v33;
	(xrf1) =	vsort.ascd.msk.f32 $0xffff, v41, v1;
	v25, v26, _ =	vpop (xrf1)  }
0xfa: {  	v19 =	vsub.f32 v19, v40;
	vm1 =	vle.f32 v27, v34;
	(xrf1) =	vsort.ascd.msk.f32 $0xffff, v31, v3;
	v24, v30, _ =	vpop (xrf1)  }
0xfb: {  	v27 =	vsel vm1, v27, v34;
	v28 =	vsel vm1, v28, v35;
	vm1 =	vle.f32 v25, v24  }
.Ltmp5:
0xfc: {  	v24 =	vsel vm1, v25, v24;
	v25 =	vsel vm1, v26, v30;
	(xrf1) =	vsort.ascd.msk.f32 $0xffff, v27, v28;
	(pc) =	sbr.rel @p0 .LBB2_5-.Ltmp5, $4  }
0xfd: {  	v19 =	vsel vm0, $0x7F61B1E6, v19;
	v26 =	vmul.f32 v21, v15;
	v28 =	vmul.f32 v23, v16;
	(xrf1) =	vsort.ascd.msk.f32 $0xffff, v24, v25  }
0xfe: {  	s4 =	sadd.s32 $0x10, s4;
	v25 =	vadd.f32 v37, v29;
	v29 =	vmul.f32 v21, v17;
	(xrf1) =	vsort.dscd.msk.f32 $0xffff, v19, v22  }
0xff: {  	v27 =	vmul.f32 v20, v9;
	v22 =	vor.u32 s19, v0;
	v24 =	vadd.f32 v26, v38;
	v19 =	vld [tilespmem:s4+$0x0]  }
0x100: {  	s5 =	sadd.s32 $0x10, s5;
	s19 =	sadd.s32 $0x10, s19;
	v25 =	vadd.f32 v36, v25;
	v26 =	vadd.f32 v29, v28;
	v28 =	vmul.f32 v20, v18  }
0x101: {  	v24 =	vadd.f32 v27, v24  }
0x102: {  	v25 =	vadd.f32 v25, v25  }
0x103: {  	v24 =	vadd.f32 v24, v24  }
0x104: {  	v23 =	vmul.f32 v23, v10;
	v26 =	vadd.f32 v28, v26;
	v25 =	vsub.f32 v19, v25  }
0x105: {  	vm0 =	veq.s32 v22, v6;
	v21 =	vmul.f32 v21, v11;
	v24 =	vsub.f32 v19, v24  }
0x106: {  	vm1 =	veq.s32 v22, v5;
	v27, v28, _ =	vpop (xrf1);
	v26 =	vadd.f32 v26, v26;
	v25 =	vsel vm0, $0x7F61B1E6, v25  }
0x107: {  	v21 =	vadd.f32 v21, v23;
	v29, v30, _ =	vpop (xrf1);
	v24 =	vsel vm1, $0x7F61B1E6, v24  }
0x108: {  	v23, v31, _ =	vpop (xrf1);
	v26 =	vsub.f32 v19, v26  }
0x109: {  	vm2 =	veq.s32 v22, v4;
	v20 =	vmul.f32 v20, v12;
	(xrf1) =	vsort.dscd.msk.f32 $0xffff, v25, v22;
	v25, v32, _ =	vpop (xrf1)  }
0x10a: {  	v26 =	vsel vm2, $0x7F61B1E6, v26;
	(xrf1) =	vsort.dscd.msk.f32 $0xffff, v24, v22;
	vm0 =	vle.f32 v25, v27  }
0x10b: {  	v20 =	vadd.f32 v20, v21;
	(xrf1) =	vsort.dscd.msk.f32 $0xffff, v26, v22;
	v21, v24, _ =	vpop (xrf1);
	v26 =	vsel vm0, v32, v28  }
0x10c: {  	v25 =	vsel vm0, v25, v27;
	vm0 =	vle.f32 v21, v29  }
0x10d: {  	v24 =	vsel vm0, v24, v30  }
0x10e: {  	v27, v28, _ =	vpop (xrf1);
	(xrf1) =	vsort.ascd.msk.f32 $0xffff, v25, v26;
	v21 =	vsel vm0, v21, v29  }
0x10f: {  	v25, v26, _ =	vpop (xrf1);
	(xrf1) =	vsort.ascd.msk.f32 $0xffff, v21, v24  }
0x110: {  	v20 =	vadd.f32 v20, v20;
	vm0 =	vle.f32 v27, v23  }
0x111: {  	v23 =	vsel vm0, v27, v23;
	v27 =	vsel vm0, v28, v31;
	v21, v24, _ =	vpop (xrf1)  }
0x112: {  	v19 =	vsub.f32 v19, v20;
	(xrf1) =	vsort.ascd.msk.f32 $0xffff, v23, v27;
	vm0 =	vle.f32 v25, v21  }
0x113: {  	vm1 =	veq.s32 v22, v2;
	v20 =	vsel vm0, v25, v21;
	v21 =	vsel vm0, v26, v24  }
0x114: {  	s1 =	simm.s32 $0x2130;
	v19 =	vsel vm1, $0x7F61B1E6, v19;
	(xrf1) =	vsort.ascd.msk.f32 $0xffff, v20, v21  }
0x115: {  	v37 =	vld [tilespmem:s1+$0xFFFFFFE0];
	(xrf1) =	vsort.dscd.msk.f32 $0xffff, v19, v22  }
0x116: {  	v38 =	vld [tilespmem:s1+$0xFFFFFFD0]  }
0x117: {  	s4 =	simm.s32 $0x130  }
0x118: {  	v46 =	vld [tilespmem:s4+$0x0]  }
0x119: {  	v19, v20, _ =	vpop (xrf1)  }
0x11a: {  	v21, v22, _ =	vpop (xrf1)  }
0x11b: {  	v42 =	vmul.f32 v37, v9;
	v45 =	vmul.f32 v38, v12;
	v23, v24, _ =	vpop (xrf1)  }
0x11c: {  	v49 =	vmul.f32 v37, v8;
	v51 =	vmul.f32 v37, v18;
	v25, v26, _ =	vpop (xrf1)  }
0x11d: {  	s0 =	simm.s32 $0x1130;
	v52 =	vmul.f32 v38, v8;
	v58 =	vmul.f32 v46, v7;
	vm0 =	vle.f32 v25, v19;
	v27, v28, _ =	vpop (xrf1)  }
0x11e: {  	v29 =	vld [tilespmem:s0+$0xFFFFFFD0];
	v19 =	vsel vm0, v25, v19;
	v20 =	vsel vm0, v26, v20;
	vm1 =	vle.f32 v27, v21  }
0x11f: {  	v31 =	vld [tilespmem:s0+$0x0];
	(xrf1) =	vsort.ascd.msk.f32 $0xffff, v19, v20;
	v21 =	vsel vm1, v27, v21;
	v22 =	vsel vm1, v28, v22  }
0x120: {  	v60 =	vmul.f32 v46, v14;
	v61 =	vmul.f32 v46, v10;
	v32 =	vld [tilespmem:s0+$0xFFFFFFF0];
	v25, v26, _ =	vpop (xrf1);
	(xrf1) =	vsort.ascd.msk.f32 $0xffff, v21, v22  }
0x121: {  	v37 =	vmul.f32 v37, v12;
	v55 =	vmul.f32 v38, v18;
	v30 =	vld [tilespmem:s1+$0xFFFFFFF0];
	vm0 =	vle.f32 v25, v23  }
0x122: {  	v46 =	vmul.f32 v46, v16;
	v27 =	vld [tilespmem:s4+$0xFFFFFFE0];
	v21 =	vsel vm0, v25, v23;
	v22 =	vsel vm0, v26, v24;
	v19, v20, _ =	vpop (xrf1)  }
0x123: {  	v33 =	vmul.f32 v29, v15;
	v40 =	vmul.f32 v29, v11;
	(xrf1) =	vsort.ascd.msk.f32 $0xffff, v21, v22;
	v21 =	vld [tilespmem:s0+$0xFFFFFFE0];
	v23, v24, _ =	vpop (xrf1)  }
0x124: {  	v34 =	vld [tilespmem:s4+$0xFFFFFFF0];
	v35 =	vmul.f32 v31, v15;
	v36 =	vmul.f32 v31, v11;
	vm0 =	vle.f32 v19, v23  }
0x125: {  	v59 =	vmul.f32 v31, v13;
	v19 =	vsel vm0, v19, v23;
	v20 =	vsel vm0, v20, v24  }
0x126: {  	v31 =	vmul.f32 v31, v17;
	v22 =	vmul.f32 v32, v17;
	(xrf1) =	vsort.ascd.msk.f32 $0xffff, v19, v20  }
0x127: {  	v28 =	vld [tilespmem:s4+$0xFFFFFFD0];
	v48 =	vmul.f32 v27, v14;
	v23 =	vmul.f32 v30, v18  }
0x128: {  	v35 =	vadd.f32 v35, v60;
	v24 =	vmul.f32 v27, v7;
	v25 =	vmul.f32 v21, v13  }
0x129: {  	v36 =	vadd.f32 v36, v61;
	v19 =	vmul.f32 v29, v13;
	v20 =	vmul.f32 v34, v16  }
0x12a: {  	v31 =	vadd.f32 v31, v46;
	v39 =	vmul.f32 v21, v11;
	v44 =	vmul.f32 v21, v15  }
0x12b: {  	v21 =	vmul.f32 v21, v17;
	v20 =	vadd.f32 v22, v20;
	v43 =	vadd.f32 v25, v24  }
0x12c: {  	v22 =	vmul.f32 v28, v7;
	v44 =	vadd.f32 v44, v48;
	v48 =	vadd.f32 v59, v58  }
0x12d: {  	v58 =	vmul.f32 v28, v14;
	v41 =	vadd.f32 v23, v20;
	v20 =	vmul.f32 v28, v10;
	v1, v25, _ =	vpop (xrf1)  }
0x12e: {  	v47 =	vadd.f32 v19, v22;
	v19 =	vmul.f32 v27, v16;
	v43 =	vadd.f32 v49, v43;
	[tilespmem:$0x1FF90] =	vst v1;
	v3, v23, _ =	vpop (xrf1)  }
0x12f: {  	v27 =	vmul.f32 v27, v10;
	v42 =	vadd.f32 v42, v44;
	v33 =	vadd.f32 v33, v58;
	[tilespmem:$0x1FFA0] =	vst v3  }
0x130: {  	v38 =	vmul.f32 v38, v9;
	v40 =	vadd.f32 v40, v20;
	v57 =	vadd.f32 v21, v19;
	(xrf0) =	vmax.scan.msk.f32 $0xffff, v1;
	v50 =	vld [tilespmem:s1+$0x0]  }
0x131: {  	v60 =	vmul.f32 v29, v17;
	v47 =	vadd.f32 v52, v47;
	v27 =	vadd.f32 v39, v27;
	(xrf0) =	vmax.scan.msk.f32 $0xffff, v3;
	v1, v22, _ =	vpop (xrf1)  }
0x132: {  	v58 =	vmul.f32 v30, v8;
	v38 =	vadd.f32 v38, v33;
	v43 =	vadd.f32 v43, v43;
	(xrf0) =	vmax.scan.msk.f32 $0xffff, v1  }
0x133: {  	v49 =	vmul.f32 v30, v12;
	v40 =	vadd.f32 v45, v40;
	v45 =	vadd.f32 v51, v57  }
0x134: {  	v30 =	vmul.f32 v30, v9;
	v37 =	vadd.f32 v37, v27;
	v47 =	vadd.f32 v47, v47;
	[tilespmem:$0x1FFB0] =	vst v1;
	v1, v3, _ =	vpop (xrf1)  }
0x135: {  	s23 =	simm.s32 $0x6130;
	v63 =	vadd.f32 v45, v45;
	[tilespmem:$0x1FFC0] =	vst v3;
	(xrf0) =	vmax.scan.msk.f32 $0xffff, v1;
	v62 =	vmul.f32 v50, v9  }
0x136: {  	v37 =	vadd.f32 v37, v37;
	v40 =	vadd.f32 v40, v40;
	v51, _, _ =	vpop (xrf0);
	v57 =	vmul.f32 v50, v12;
	v53 =	vld [tilespmem:s23+$0xFFFFFFE0]  }
0x137: {  	v29 =	vbroadcast v51, $0xF;
	v45, _, _ =	vpop (xrf0);
	v35 =	vadd.f32 v62, v35;
	v62 =	vmul.f32 v50, v8  }
0x138: {  	v56, _, _ =	vpop (xrf0);
	v36 =	vadd.f32 v57, v36;
	v57 =	vmul.f32 v34, v7;
	v50 =	vmul.f32 v50, v18  }
0x139: {  	[tilespmem:$0x1FFD0] =	vst v1;
	v27 =	vbroadcast v56, $0xF;
	v56 =	vmul.f32 v32, v13;
	v39 =	vadd.f32 v62, v48  }
0x13a: {  	v33 =	vld [tilespmem:s23+$0x0];
	v31 =	vadd.f32 v50, v31;
	v62 =	vmul.f32 v34, v10;
	v34 =	vmul.f32 v34, v14  }
0x13b: {  	v48 =	vld [tilespmem:s23+$0xFFFFFFD0];
	v35 =	vadd.f32 v35, v35;
	v59 =	vsub.f32 v53, v63;
	v61, _, _ =	vpop (xrf0);
	v63 =	vmul.f32 v28, v16  }
0x13c: {  	v37 =	vsub.f32 v53, v37;
	v31 =	vadd.f32 v31, v31;
	v28 =	vbroadcast v61, $0xF  }
0x13d: {  	v39 =	vadd.f32 v39, v39;
	v52 =	vsub.f32 v53, v43;
	vm0 =	vlt.f32 v59, v27  }
0x13e: {  	v44 =	vadd.f32 v60, v63;
	v60 =	vmul.f32 v32, v11;
	vm1 =	vlt.f32 v37, v28  }
0x13f: {  	v31 =	vsub.f32 v33, v31;
	v37 =	vadd.f32 v56, v57;
	v59 =	vmpcnt.ones.xlane vm1  }
0x140: {  	v32 =	vmul.f32 v32, v15;
	v47 =	vsub.f32 v48, v47;
	v57 =	vadd.f32 v36, v36  }
0x141: {  	v61 =	vmpcnt.ones.xlane vm0;
	v40 =	vsub.f32 v48, v40;
	(v2sf) =	vpush v59, $0x0  }
0x142: {  	vm6 =	vlt.f32 v52, v29;
	v44 =	vadd.f32 v55, v44;
	v63 =	vadd.f32 v60, v62  }
0x143: {  	v32 =	vadd.f32 v32, v34;
	vm2 =	vlt.f32 v31, v27;
	(v2sf) =	vpush v61, $0x0  }
0x144: {  	v55 =	vadd.f32 v38, v38;
	vm4 =	vlt.f32 v47, v29;
	v37 =	vadd.f32 v58, v37  }
0x145: {  	v58 =	vadd.f32 v41, v41;
	vm9 =	vlt.f32 v40, v28;
	v38 =	vsub.f32 v33, v57  }
0x146: {  	v34 =	vld [tilespmem:s23+$0xFFFFFFF0];
	v50 =	vmpcnt.ones.xlane vm4;
	v46 =	vadd.f32 v49, v63;
	v51 =	vadd.f32 v30, v32  }
0x147: {  	v30 =	vsub.f32 v33, v39;
	v54 =	vadd.f32 v44, v44;
	v59 =	vmpcnt.ones.xlane vm6  }
0x148: {  	v60 =	vsub.f32 v48, v55;
	v32 =	vmpcnt.ones.xlane vm2;
	(v2sf) =	vpush v50, $0x0  }
0x149: {  	v31 =	vadd.f32 v37, v37;
	vm5 =	vlt.f32 v30, v29;
	v30 =	vadd.f32 v42, v42  }
0x14a: {  	v36 =	vmpcnt.ones.xlane vm9;
	v39 =	vsub.f32 v48, v54;
	v62 =	vadd.f32 v46, v46  }
0x14b: {  	v44 =	vadd.f32 v51, v51;
	v56 =	vsub.f32 v34, v31;
	v31 =	vbroadcast v45, $0xF  }
0x14c: {  	s25 =	simm.s32 $0x100;
	v61 =	vsub.f32 v34, v58;
	v40 =	vmpcnt.ones.xlane vm5;
	(v2sf) =	vpush v59, $0x0  }
0x14d: {  	s28 =	simm.s32 $0x0;
	v37 =	vsub.f32 v53, v30;
	v30 =	vor.u32 s25, v0;
	vm8 =	vlt.f32 v39, v27  }
0x14e: {  	s30 =	simm.s32 $0x10;
	s19 =	simm.s32 $0x170;
	s24 =	simm.s32 $0x100;
	v63 =	vsub.f32 v34, v62;
	vm3 =	vlt.f32 v61, v27;
	[tilespmem:s28+$0x7000] =	vst.msk vm4, v30;
	vm4 =	vlt.f32 v60, v31  }
0x14f: {  	s26 =	simm.s32 $0x0;
	s31 =	simm.s32 $0x0;
	s29 =	simm.s32 $0x0;
	vm7 =	vlt.f32 v56, v29;
	v41 =	vmpcnt.ones.xlane vm8;
	v43 =	vmpcnt.ones.xlane vm3;
	[tilespmem:s28+$0x8080] =	vst.msk vm4, v30  }
0x150: {  	s0 =	simm.s32 $0x1170;
	s1 =	simm.s32 $0x2170;
	v45 =	vmpcnt.ones.xlane vm7;
	v42 =	vmpcnt.ones.xlane vm4;
	vm4 =	vlt.f32 v63, v28;
	[tilespmem:s28+$0x9100] =	vst.msk vm8, v30;
	s4 =	spop (v2sf)  }
.LBB2_7:
0x151: {  	v47 =	vld [tilespmem:s0+$0xFFFFFFD0];
	s30 =	sadd.s32 $0x4, s30;
	v46 =	vmpcnt.ones.xlane vm4;
	vm8 =	vlt.f32 v38, v28;
	s25 =	sadd.s32 $0x40, s25;
	s23 =	sadd.s32 $0x40, s23;
	(v2sf) =	vpush v36, $0x0  }
0x152: {  	v39 =	vld [tilespmem:s1+$0x0];
	p0 =	slt.u32 s30, $0xFC;
	v48 =	vmpcnt.ones.xlane vm8;
	s5 =	spop (v2sf);
	(v2sf) =	vpush v32, $0x0  }
0x153: {  	s6 =	sadd.s32 $0x30, s24;
	v38 =	vld [tilespmem:s0+$0x0];
	(v2sf) =	vpush v45, $0x0  }
0x154: {  	v33 =	vsub.f32 v33, v35;
	v36 =	vor.u32 s6, v0;
	v32 =	vld [tilespmem:s1+$0xFFFFFFF0];
	(v2sf) =	vpush v43, $0x0  }
0x155: {  	vm11 =	vlt.f32 v37, v31;
	v44 =	vsub.f32 v34, v44;
	v49 =	vld [tilespmem:s19+$0xFFFFFFE0];
	(v2sf) =	vpush v40, $0x0  }
0x156: {  	vm10 =	vlt.f32 v33, v31;
	v50 =	vmul.f32 v47, v13;
	v35 =	vld [tilespmem:s0+$0xFFFFFFF0];
	(v2sf) =	vpush v48, $0x0  }
0x157: {  	s6 =	sadd.s32 $0x20, s24;
	v40 =	vmpcnt.ones.xlane vm11;
	v33 =	vmul.f32 v47, v15;
	v34 =	vld [tilespmem:s19+$0xFFFFFFF0];
	s7 =	spop (v2sf);
	(v2sf) =	vpush v42, $0x0  }
0x158: {  	v43 =	vor.u32 s6, v0;
	v52 =	vmul.f32 v39, v9;
	v48 =	vld [tilespmem:s0+$0xFFFFFFE0];
	v51 =	vmul.f32 v38, v15  }
0x159: {  	vm12 =	vlt.f32 v44, v31;
	v54 =	vmul.f32 v38, v11;
	v53 =	vld [tilespmem:s19+$0xFFFFFFD0];
	v37 =	vmul.f32 v32, v8  }
0x15a: {  	v45 =	vmul.f32 v47, v17;
	v42 =	vmpcnt.ones.xlane vm12;
	v55 =	vld [tilespmem:s1+$0xFFFFFFD0];
	(v2sf) =	vpush v46, $0x0  }
0x15b: {  	v56 =	vmul.f32 v39, v12;
	v44 =	vmul.f32 v35, v13;
	(v2sf) =	vpush v41, $0x0;
	s8 =	spop (v2sf)  }
0x15c: {  	v46 =	vmul.f32 v35, v17;
	v57 =	vld [tilespmem:s1+$0xFFFFFFE0];
	v41 =	vmul.f32 v34, v16;
	(v2sf) =	vpush v42, $0x0  }
0x15d: {  	v59 =	vmpcnt.ones.xlane vm10;
	v58 =	vmul.f32 v32, v18;
	(v2sf) =	vpush v40, $0x0  }
0x15e: {  	v60 =	vmul.f32 v49, v7;
	v42 =	vmul.f32 v35, v11;
	v40 =	vadd.f32 v46, v41  }
0x15f: {  	v41 =	vmul.f32 v53, v7;
	v46 =	vmul.f32 v55, v9;
	(v2sf) =	vpush v59, $0x0  }
0x160: {  	s6 =	sadd.s32 $0x10, s24;
	s24 =	smov.u32 s25;
	v61 =	vmul.f32 v48, v11;
	v59 =	vmul.f32 v48, v13;
	v40 =	vadd.f32 v58, v40;
	s9 =	spop (v2sf)  }
0x161: {  	v62 =	vor.u32 s6, v0;
	v47 =	vmul.f32 v47, v11;
	s7 =	sadd.s32 s28, s7;
	v58 =	vmul.f32 v57, v9;
	[tilespmem:s26+$0xA180] =	vst.msk vm9, v30;
	s6 =	spop (v2sf)  }
0x162: {  	v63 =	vmul.f32 v53, v10;
	v59 =	vadd.f32 v59, v60;
	v60 =	vmul.f32 v48, v15;
	[tilespmem:s7+$0x7000] =	vst.msk vm6, v62;
	s7 =	sadd.s32 s7, s8;
	s8 =	spop (v2sf)  }
0x163: {  	v1 =	vmul.f32 v49, v16;
	v3 =	vmul.f32 v55, v12;
	v50 =	vadd.f32 v50, v41;
	v19 =	vld [tilespmem:s19+$0x0];
	[tilespmem:s7+$0x7000] =	vst.msk vm7, v43;
	s7 =	sadd.s32 s7, s8;
	s8 =	spop (v2sf)  }
0x164: {  	v24 =	vmul.f32 v49, v14;
	v30 =	vor.u32 s25, v0;
	v20 =	vmul.f32 v57, v8;
	v41 =	vld [tilespmem:s23+$0xFFFFFFD0];
	[tilespmem:s7+$0x7000] =	vst.msk vm5, v36;
	s28 =	spop (v2sf)  }
0x165: {  	v21 =	vmul.f32 v39, v8;
	v47 =	vadd.f32 v47, v63;
	v63 =	vmul.f32 v57, v18;
	s28 =	sadd.s32 s7, s28;
	s10 =	spop (v2sf)  }
0x166: {  	v26 =	vmul.f32 v55, v8;
	v48 =	vmul.f32 v48, v17;
	v24 =	vadd.f32 v60, v24;
	s11 =	spop (v2sf)  }
0x167: {  	v47 =	vadd.f32 v3, v47;
	v3 =	vadd.f32 v20, v59;
	v20 =	vmul.f32 v49, v10  }
0x168: {  	s9 =	sadd.s32 s26, s9;
	v1 =	vadd.f32 v48, v1;
	v24 =	vadd.f32 v58, v24;
	v49 =	vmul.f32 v19, v14  }
0x169: {  	v26 =	vadd.f32 v26, v50;
	s4 =	sadd.s32 s9, s4;
	v58 =	vmul.f32 v38, v13;
	v50 =	vmul.f32 v19, v7;
	v48 =	vld [tilespmem:s23+$0xFFFFFFE0];
	s7 =	spop (v2sf)  }
0x16a: {  	v59 =	vmul.f32 v53, v16;
	v1 =	vadd.f32 v63, v1;
	v24 =	vadd.f32 v24, v24;
	s7 =	sadd.s32 s4, s7;
	s26 =	spop (v2sf)  }
0x16b: {  	s11 =	sadd.s32 s31, s11;
	v50 =	vadd.f32 v58, v50;
	v49 =	vadd.f32 v51, v49;
	v51 =	vmul.f32 v19, v10;
	s29 =	sadd.s32 s29, s26;
	s31 =	spop (v2sf)  }
0x16c: {  	v57 =	vmul.f32 v57, v12;
	v53 =	vmul.f32 v53, v14;
	v1 =	vadd.f32 v1, v1;
	s26 =	sadd.s32 s7, s10;
	[tilespmem:s11+$0x8080] =	vst.msk vm11, v62;
	s5 =	sadd.s32 s29, s5;
	s10 =	spop (v2sf)  }
0x16d: {  	v20 =	vadd.f32 v61, v20;
	v58 =	vmul.f32 v34, v7;
	v51 =	vadd.f32 v54, v51;
	s10 =	sadd.s32 s11, s10;
	[tilespmem:s29+$0x9100] =	vst.msk vm0, v62;
	s8 =	sadd.s32 s5, s8  }
0x16e: {  	v54 =	vmul.f32 v55, v18;
	v49 =	vadd.f32 v52, v49;
	v1 =	vsub.f32 v48, v1;
	[tilespmem:s10+$0x8080] =	vst.msk vm12, v43;
	s10 =	sadd.s32 s10, s31;
	s29 =	sadd.s32 s8, s6;
	s6 =	spop (v2sf)  }
0x16f: {  	v39 =	vmul.f32 v39, v18;
	v20 =	vadd.f32 v57, v20;
	v51 =	vadd.f32 v56, v51;
	[tilespmem:s10+$0x8080] =	vst.msk vm10, v36;
	s31 =	sadd.s32 s10, s6  }
0x170: {  	v26 =	vadd.f32 v26, v26;
	v52 =	vadd.f32 v33, v53;
	vm0 =	vlt.f32 v1, v27;
	[tilespmem:s9+$0xA180] =	vst.msk vm1, v62  }
0x171: {  	v20 =	vadd.f32 v20, v20;
	v1 =	vadd.f32 v3, v3;
	v3 =	vmpcnt.ones.xlane vm0;
	[tilespmem:s8+$0x9100] =	vst.msk vm2, v36  }
0x172: {  	v45 =	vadd.f32 v45, v59;
	v38 =	vmul.f32 v38, v17;
	v21 =	vadd.f32 v21, v50;
	v33 =	vld [tilespmem:s23+$0x0];
	[tilespmem:s5+$0x9100] =	vst.msk vm3, v43  }
0x173: {  	v26 =	vsub.f32 v41, v26;
	v19 =	vmul.f32 v19, v16;
	v20 =	vsub.f32 v48, v20;
	[tilespmem:s4+$0xA180] =	vst.msk vm4, v43  }
0x174: {  	v21 =	vadd.f32 v21, v21;
	v43 =	vadd.f32 v54, v45;
	v45 =	vmul.f32 v34, v14;
	[tilespmem:s7+$0xA180] =	vst.msk vm8, v36  }
0x175: {  	v19 =	vadd.f32 v38, v19;
	vm1 =	vlt.f32 v20, v28;
	v20 =	vadd.f32 v44, v58  }
0x176: {  	v36 =	vadd.f32 v46, v52;
	v38 =	vadd.f32 v43, v43;
	v43 =	vmpcnt.ones.xlane vm1  }
0x177: {  	v19 =	vadd.f32 v39, v19;
	v44 =	vmul.f32 v35, v15;
	v21 =	vsub.f32 v33, v21  }
0x178: {  	v39 =	vmul.f32 v34, v10;
	v36 =	vadd.f32 v36, v36;
	(v2sf) =	vpush v43, $0x0  }
0x179: {  	v35 =	vadd.f32 v49, v49;
	v19 =	vadd.f32 v19, v19;
	vm2 =	vlt.f32 v26, v29;
	v34 =	vld [tilespmem:s23+$0xFFFFFFF0]  }
0x17a: {  	v26 =	vmpcnt.ones.xlane vm2;
	v20 =	vadd.f32 v37, v20;
	v37 =	vadd.f32 v42, v39;
	[tilespmem:s28+$0x7000] =	vst.msk vm2, v30  }
0x17b: {  	v39 =	vmul.f32 v32, v9;
	v19 =	vsub.f32 v33, v19;
	(v2sf) =	vpush v3, $0x0  }
0x17c: {  	v42 =	vadd.f32 v51, v51;
	v3 =	vadd.f32 v20, v20;
	v20 =	vmul.f32 v32, v12  }
0x17d: {  	v1 =	vsub.f32 v48, v1;
	v43 =	vadd.f32 v40, v40;
	vm2 =	vlt.f32 v19, v27  }
0x17e: {  	vm5 =	vlt.f32 v21, v29;
	v32 =	vmpcnt.ones.xlane vm2;
	v3 =	vsub.f32 v34, v3  }
0x17f: {  	v19 =	vadd.f32 v44, v45;
	v40 =	vmpcnt.ones.xlane vm5;
	v20 =	vadd.f32 v20, v37  }
0x180: {  	vm6 =	vlt.f32 v1, v29;
	v21 =	vadd.f32 v47, v47;
	(v2sf) =	vpush v26, $0x0  }
0x181: {  	v1 =	vmpcnt.ones.xlane vm6;
	v19 =	vadd.f32 v39, v19;
	v26 =	vsub.f32 v34, v43  }
0x182: {  	v21 =	vsub.f32 v41, v21;
	v37 =	vsub.f32 v48, v24;
	vm7 =	vlt.f32 v3, v29  }
0x183: {  	v20 =	vadd.f32 v20, v20;
	v3 =	vsub.f32 v41, v38  }
.Ltmp6:
0x184: {  	v24 =	vsub.f32 v41, v36;
	vm9 =	vlt.f32 v21, v28;
	(v2sf) =	vpush v1, $0x0;
	(pc) =	sbr.rel @p0 .LBB2_7-.Ltmp6, $4  }
0x185: {  	v36 =	vmpcnt.ones.xlane vm9;
	vm4 =	vlt.f32 v3, v27;
	vm3 =	vlt.f32 v26, v27  }
0x186: {  	vm8 =	vlt.f32 v24, v31;
	v43 =	vmpcnt.ones.xlane vm3;
	v1 =	vsub.f32 v34, v20  }
0x187: {  	v44 =	vadd.f32 v19, v19;
	v38 =	vsub.f32 v33, v42;
	v45 =	vmpcnt.ones.xlane vm7;
	[tilespmem:s31+$0x8080] =	vst.msk vm8, v30;
	s4 =	spop (v2sf)  }
0x188: {  	s0 =	sadd.s32 $0x40, s0;
	s1 =	sadd.s32 $0x40, s1;
	s19 =	sadd.s32 $0x40, s19;
	v42 =	vmpcnt.ones.xlane vm8;
	v41 =	vmpcnt.ones.xlane vm4;
	[tilespmem:s29+$0x9100] =	vst.msk vm4, v30;
	vm4 =	vlt.f32 v1, v28  }
0x189: {  	(v2sf) =	vpush v36, $0x0  }
0x18a: {  	(v2sf) =	vpush v32, $0x0  }
0x18b: {  	vm8 =	vlt.f32 v38, v28;
	(v2sf) =	vpush v45, $0x0  }
0x18c: {  	v1 =	vmpcnt.ones.xlane vm8;
	(v2sf) =	vpush v43, $0x0  }
0x18d: {  	v3 =	vsub.f32 v34, v44;
	(v2sf) =	vpush v40, $0x0  }
0x18e: {  	v19 =	vmpcnt.ones.xlane vm4;
	(v2sf) =	vpush v1, $0x0  }
0x18f: {  	vm12 =	vlt.f32 v37, v31;
	vm10 =	vlt.f32 v3, v31;
	(v2sf) =	vpush v42, $0x0  }
0x190: {  	v3 =	vmpcnt.ones.xlane vm10;
	v1 =	vsub.f32 v33, v35;
	(v2sf) =	vpush v19, $0x0  }
0x191: {  	v19 =	vmpcnt.ones.xlane vm12;
	(v2sf) =	vpush v41, $0x0  }
0x192: {  	vm11 =	vlt.f32 v1, v31;
	(v2sf) =	vpush v3, $0x0  }
0x193: {  	v1 =	vmpcnt.ones.xlane vm11;
	(v2sf) =	vpush v19, $0x0;
	_ =	sdelay $0x1  }
0x194: {  	s1 =	spop (v2sf);
	(v2sf) =	vpush v1, $0x0  }
0x195: {  	s0 =	spop (v2sf)  }
0x196: {  	s5 =	spop (v2sf)  }
0x197: {  	s6 =	spop (v2sf)  }
0x198: {  	s7 =	spop (v2sf)  }
0x199: {  	s8 =	spop (v2sf)  }
0x19a: {  	s9 =	spop (v2sf)  }
0x19b: {  	s10 =	spop (v2sf)  }
0x19c: {  	s19 =	sadd.s32 s28, s0;
	s11 =	spop (v2sf)  }
0x19d: {  	s5 =	sadd.s32 s19, s5;
	s23 =	spop (v2sf)  }
0x19e: {  	s25 =	sadd.s32 $0x10, s24;
	s8 =	sadd.s32 s5, s8;
	s28 =	spop (v2sf)  }
0x19f: {  	s30 =	sadd.s32 s26, s6;
	s0 =	sadd.s32 s8, s10;
	s20 =	spop (v2sf)  }
0x1a0: {  	s10 =	sadd.s32 s30, s4;
	s23 =	sadd.s32 s31, s23;
	s12 =	spop (v2sf)  }
0x1a1: {  	s28 =	sadd.s32 s10, s28;
	s29 =	sadd.s32 s29, s20;
	s20 =	spop (v2sf)  }
0x1a2: {  	s31 =	sadd.s32 s29, s1;
	s1 =	sadd.s32 s28, s11;
	s20 =	sadd.s32 s23, s20  }
0x1a3: {  	s9 =	sadd.s32 s31, s9;
	s4 =	spop (v2sf);
	s12 =	sadd.s32 s20, s12  }
0x1a4: {  	v1 =	vor.u32 s25, v0;
	s25 =	smov.u32 s1;
	s6 =	sadd.s32 s9, s7;
	s4 =	sadd.s32 s12, s4  }
0x1a5: {  	p1 =	sgt.s32 s6, s1;
	p0 =	sgt.s32 s0, s4;
	s11 =	smov.u32 s4  }
0x1a6: {  	s25 =	smov.u32 @p1 s6;
	s11 =	smov.u32 @p0 s0  }
0x1a7: {  	p0 =	sgt.s32 s11, s25  }
0x1a8: {  	[tilespmem:s26+$0xA180] =	vst.msk vm9, v30;
	s25 =	smov.u32 @p0 s11  }
0x1a9: {  	[tilespmem:s19+$0x7000] =	vst.msk vm6, v1;
	s25 =	sadd.s32 $0xF, s25  }
0x1aa: {  	[tilespmem:s23+$0x8080] =	vst.msk vm12, v1;
	s7 =	sadd.s32 $0x20, s24;
	s26 =	sand.u32 $0xF, s25  }
0x1ab: {  	[tilespmem:s29+$0x9100] =	vst.msk vm0, v1;
	s29 =	sshra.s32 s25, $0x1F;
	p6 =	slt.s32 s25, $0x1;
	p5 =	sne.s32 s26, $0x0  }
0x1ac: {  	s24 =	sadd.s32 $0x30, s24;
	v3 =	vor.u32 s7, v0;
	s7 =	sshrl.u32 s29, $0x1C;
	p0 =	por !p6, !p5  }
0x1ad: {  	[tilespmem:s5+$0x7000] =	vst.msk vm7, v3;
	s5 =	sadd.s32 s7, s25;
	s7 =	simm.s32 $0x1;
	p0 =	por !p0, !p0  }
0x1ae: {  	[tilespmem:s30+$0xA180] =	vst.msk vm1, v1;
	v19 =	vor.u32 s24, v0;
	s5 =	sshra.s32 s5, $0x4;
	s7 =	simm.s32 @!p0 $0x0  }
0x1af: {  	[tilespmem:s8+$0x7000] =	vst.msk vm5, v19;
	s5 =	ssub.s32 s5, s7  }
0x1b0: {  	[tilespmem:s20+$0x8080] =	vst.msk vm10, v3;
	p0 =	slt.s32 s5, $0x1  }
.Ltmp7:
0x1b1: {  	[tilespmem:s12+$0x8080] =	vst.msk vm11, v19;
	(pc) =	sbr.rel @p0 .LBB2_9-.Ltmp7, $4  }
0x1b2: {  	[tilespmem:s9+$0x9100] =	vst.msk vm2, v19  }
0x1b3: {  	[tilespmem:s31+$0x9100] =	vst.msk vm3, v3  }
0x1b4: {  	[tilespmem:s10+$0xA180] =	vst.msk vm4, v3  }
0x1b5: {  	[tilespmem:s28+$0xA180] =	vst.msk vm8, v19  }
0x1b6: {  	s7 =	simm.s32 $0x9100  }
0x1b7: {  	s28 =	simm.s32 $0x0;
	v30 =	vld [tilespmem:s7+$0x0]  }
0x1b8: {  	v31 =	vmov s6;
	s29 =	simm.s32 $0x8080;
	v1 =	vor.u32 s28, v0  }
0x1b9: {  	v29 =	vld [tilespmem:s29+$0x0];
	vm6 =	vlt.s32 v1, v31  }
0x1ba: {  	v32 =	vmov s4  }
0x1bb: {  	s30 =	simm.s32 $0xA180;
	vm7 =	vlt.s32 v1, v32  }
0x1bc: {  	s31 =	simm.s32 $0x7000;
	v28 =	vld [tilespmem:s30+$0x0]  }
0x1bd: {  	v33 =	vmov s1;
	v27 =	vld [tilespmem:s31+$0x0]  }
0x1be: {  	v34 =	vmov s0;
	vm2 =	vlt.s32 v1, v33  }
0x1bf: {  	vm0 =	vlt.s32 v1, v34;
	v1 =	vld.idx.msk [tilespmem:v30+s14+$0x0], vm6  }
0x1c0: {  	v3 =	vld.idx.msk [tilespmem:v30+s2+$0x0], vm6  }
0x1c1: {  	v35 =	vld.idx.msk [tilespmem:v29+s14+$0x0], vm7  }
0x1c2: {  	v19 =	vld.idx.msk [tilespmem:v30+s13+$0x0], vm6  }
0x1c3: {  	vm1 =	vmmov vm2;
	v20 =	vld.idx.msk [tilespmem:v29+s2+$0x0], vm7  }
0x1c4: {  	v37 =	vld.idx.msk [tilespmem:v28+s14+$0x0], vm2  }
0x1c5: {  	v21 =	vld.idx.msk [tilespmem:v27+s13+$0x0], vm0  }
0x1c6: {  	v24 =	vld.idx.msk [tilespmem:v29+s13+$0x0], vm7  }
0x1c7: {  	p2 =	sne.s32 s5, $0x1;
	v43 =	vld.idx.msk [tilespmem:v28+s13+$0x0], vm2  }
.Ltmp8:
0x1c8: {  	vm3 =	vne.s32 v30, v4;
	v39 =	vld.idx.msk [tilespmem:v27+s2+$0x0], vm0;
	v3 =	vmul.f32 v3, v16;
	v19 =	vmul.f32 v19, v17;
	(pc) =	sbr.rel @!p2 .LBB2_11-.Ltmp8, $4  }
0x1c9: {  	vm5 =	vne.s32 v27, v6;
	vm4 =	vmand vm3, vm6;
	vm3 =	vne.s32 v28, v2;
	v41 =	vld.idx.msk [tilespmem:v28+s2+$0x0], vm1  }
0x1ca: {  	vm2 =	vne.s32 v29, v5;
	v40 =	vld.idx.msk [tilespmem:v27+s14+$0x0], vm0;
	v1 =	vmul.f32 v1, v18;
	v3 =	vadd.f32 v19, v3  }
0x1cb: {  	s0 =	sadd.s32 $0xFFFFFFFF, s5;
	vm3 =	vmand vm3, vm1;
	v38 =	vld.idx.msk [tilespmem:v30+s18+$0x0], vm6;
	vm2 =	vmand vm2, vm7;
	v47 =	vmul.f32 v20, v14  }
0x1cc: {  	s1 =	simm.s32 $0x9110;
	p0 =	por $0x0, $0x0;
	p1 =	por $0x0, $0x0;
	v36 =	vld.idx.msk [tilespmem:v29+s18+$0x0], vm7;
	v44 =	vmul.f32 v21, v13;
	v49 =	vmul.f32 v24, v15;
	v50 =	vadd.f32 v1, v3  }
0x1cd: {  	_ =	sdelay $0x3  }
0x1ce: {  	v48 =	vld [tilespmem:s1+$0x0]  }
0x1cf: {  	s29 =	simm.s32 $0x10;
	v24 =	vld.idx.msk [tilespmem:v28+s18+$0x0], vm1  }
0x1d0: {  	v51 =	vld [tilespmem:$0x1FFD0];
	v1 =	vor.u32 s29, v0  }
0x1d1: {  	v52 =	vld [tilespmem:$0x1FFB0];
	vm7 =	vlt.s32 v1, v31  }
0x1d2: {  	s4 =	simm.s32 $0x8090;
	v53 =	vld [tilespmem:$0x1FFC0]  }
0x1d3: {  	s30 =	simm.s32 $0x7010;
	v46 =	vld [tilespmem:s4+$0x0]  }
0x1d4: {  	s31 =	simm.s32 $0xA190;
	v3 =	vmul.f32 v43, v11;
	v42 =	vld [tilespmem:s30+$0x0];
	v19 =	vmul.f32 v41, v10  }
0x1d5: {  	v20 =	vmul.f32 v35, v9;
	v45 =	vld [tilespmem:s31+$0x0];
	v21 =	vadd.f32 v49, v47;
	vm8 =	vlt.s32 v1, v32  }
0x1d6: {  	v26 =	vmul.f32 v37, v12;
	v3 =	vadd.f32 v3, v19;
	v19 =	vld.idx.msk [tilespmem:v27+s18+$0x0], vm0  }
0x1d7: {  	vm9 =	vlt.s32 v1, v33;
	vm6 =	vlt.s32 v1, v34;
	v1 =	vadd.f32 v20, v21;
	v20 =	vld.idx.msk [tilespmem:v48+s14+$0x0], vm7  }
0x1d8: {  	v21 =	vadd.f32 v50, v50;
	v3 =	vadd.f32 v26, v3;
	v26 =	vld.idx.msk [tilespmem:v48+s2+$0x0], vm7  }
0x1d9: {  	v59 =	vmul.f32 v39, v7;
	v61 =	vld.idx.msk [tilespmem:v48+s13+$0x0], vm7  }
0x1da: {  	v21 =	vsub.f32 v38, v21;
	v38 =	vld.idx.msk [tilespmem:v48+s18+$0x0], vm7  }
0x1db: {  	v60 =	vmul.f32 v40, v8;
	v39 =	vadd.f32 v44, v59;
	v35 =	vld.idx.msk [tilespmem:v46+s14+$0x0], vm8  }
0x1dc: {  	v1 =	vadd.f32 v1, v1;
	v3 =	vadd.f32 v3, v3;
	v63 =	vld.idx.msk [tilespmem:v46+s2+$0x0], vm8  }
0x1dd: {  	v62 =	vadd.f32 v60, v39;
	v37 =	vld.idx.msk [tilespmem:v45+s14+$0x0], vm9  }
0x1de: {  	v1 =	vsub.f32 v36, v1;
	v21 =	vnsel vm4, $0x7F61B1E6, v21;
	v3 =	vsub.f32 v24, v3;
	v24 =	vld.idx.msk [tilespmem:v42+s13+$0x0], vm6  }
0x1df: {  	(xrf1) =	vsort.dscd.msk.f32 $0xffff, v21, v30;
	v21 =	vadd.f32 v62, v62;
	v43 =	vld.idx.msk [tilespmem:v45+s13+$0x0], vm9  }
0x1e0: {  	vm0 =	vmand vm5, vm0;
	vm5 =	vne.s32 v42, v6;
	v1 =	vnsel vm2, $0x7F61B1E6, v1;
	v39 =	vld.idx.msk [tilespmem:v42+s2+$0x0], vm6  }
0x1e1: {  	p2 =	sne.s32 s0, $0x1;
	vm1 =	vmmov vm9;
	(xrf1) =	vsort.dscd.msk.f32 $0xffff, v1, v29;
	v19 =	vsub.f32 v19, v21;
	v1 =	vnsel vm3, $0x7F61B1E6, v3;
	v3 =	vld.idx.msk [tilespmem:v46+s13+$0x0], vm8  }
.Ltmp9:
0x1e2: {  	vm2 =	vne.s32 v48, v4;
	v41 =	vld.idx.msk [tilespmem:v45+s2+$0x0], vm9;
	v26 =	vmul.f32 v26, v16;
	v21 =	vmul.f32 v61, v17;
	(pc) =	sbr.rel @!p2 .LBB2_13-.Ltmp9, $4  }
0x1e3: {  	v54 =	vld [tilespmem:$0x1FF90];
	vm3 =	vne.s32 v46, v5;
	(xrf1) =	vsort.dscd.msk.f32 $0xffff, v1, v28;
	v1 =	vnsel vm0, $0x7F61B1E6, v19;
	vm0 =	vne.s32 v45, v2  }
0x1e4: {  	v55 =	vld [tilespmem:$0x1FFA0];
	vm4 =	vmand vm2, vm7;
	(xrf1) =	vsort.dscd.msk.f32 $0xffff, v1, v27;
	v19 =	vmul.f32 v20, v18;
	v1 =	vadd.f32 v21, v26  }
0x1e5: {  	v40 =	vld.idx.msk [tilespmem:v42+s14+$0x0], vm6;
	vm2 =	vmand vm3, vm8;
	vm3 =	vmand vm0, vm1;
	v47 =	vmul.f32 v63, v14  }
0x1e6: {  	p0 =	por $0x1, $0x1;
	s4 =	sadd.s32 $0xFFFFFFFF, s0;
	s0 =	simm.s32 $0x9120;
	v36 =	vld.idx.msk [tilespmem:v46+s18+$0x0], vm8;
	v44 =	vmul.f32 v24, v13;
	v49 =	vmul.f32 v3, v15;
	v50 =	vadd.f32 v19, v1  }
0x1e7: {  	_ =	sdelay $0x3  }
0x1e8: {  	v30 =	vld [tilespmem:s0+$0x0];
	s0 =	simm.s32 $0x20  }
0x1e9: {  	v1 =	vmul.f32 v43, v11;
	v19 =	vor.u32 s0, v0  }
0x1ea: {  	v3 =	vmul.f32 v37, v12;
	v20 =	vmul.f32 v35, v9;
	vm7 =	vlt.s32 v19, v31  }
0x1eb: {  	s1 =	simm.s32 $0x80A0;
	v21 =	vmul.f32 v39, v7;
	v63 =	vmul.f32 v41, v10;
	v24 =	vadd.f32 v50, v50;
	v26, v62, _ =	vpop (xrf1)  }
0x1ec: {  	v29 =	vld [tilespmem:s1+$0x0];
	v49 =	vadd.f32 v49, v47;
	vm9 =	vlt.s32 v19, v33;
	vm8 =	vlt.s32 v19, v32;
	v56, v50, _ =	vpop (xrf1)  }
0x1ed: {  	s19 =	simm.s32 $0x7020;
	v57 =	vld.idx.msk [tilespmem:v45+s18+$0x0], vm1;
	v21 =	vadd.f32 v44, v21;
	v1 =	vadd.f32 v1, v63;
	vm0 =	vle.f32 v55, v56  }
0x1ee: {  	s23 =	simm.s32 $0xA1A0;
	v27 =	vld [tilespmem:s19+$0x0];
	v40 =	vmul.f32 v40, v8;
	vm1 =	vle.f32 v52, v26;
	v41 =	vsel vm0, v55, v56  }
0x1ef: {  	v28 =	vld [tilespmem:s23+$0x0];
	v43 =	vsel vm0, v23, v50;
	vm0 =	vlt.s32 v19, v34;
	v19 =	vadd.f32 v20, v49  }
0x1f0: {  	v24 =	vsub.f32 v38, v24;
	v35 =	vsel vm1, v22, v62;
	v26 =	vsel vm1, v52, v26;
	v58 =	vld.idx.msk [tilespmem:v30+s14+$0x0], vm7  }
0x1f1: {  	v1 =	vadd.f32 v3, v1;
	v38 =	vld.idx.msk [tilespmem:v30+s18+$0x0], vm7;
	(xrf1) =	vsort.ascd.msk.f32 $0xffff, v26, v35;
	v19 =	vadd.f32 v19, v19  }
0x1f2: {  	v24 =	vnsel vm4, $0x7F61B1E6, v24;
	v21 =	vadd.f32 v40, v21;
	v26 =	vld.idx.msk [tilespmem:v30+s2+$0x0], vm7;
	(xrf1) =	vsort.ascd.msk.f32 $0xffff, v41, v43  }
0x1f3: {  	v1 =	vadd.f32 v1, v1;
	v20 =	vld.idx.msk [tilespmem:v42+s18+$0x0], vm6;
	v3, v59, _ =	vpop (xrf1);
	(xrf1) =	vsort.dscd.msk.f32 $0xffff, v24, v48;
	v19 =	vsub.f32 v36, v19  }
0x1f4: {  	v21 =	vadd.f32 v21, v21;
	v35 =	vld.idx.msk [tilespmem:v29+s14+$0x0], vm8;
	vm10 =	vle.f32 v51, v3  }
0x1f5: {  	v1 =	vsub.f32 v57, v1;
	v60, v61, _ =	vpop (xrf1);
	v24 =	vld.idx.msk [tilespmem:v30+s13+$0x0], vm7;
	v3 =	vsel vm10, v51, v3;
	v19 =	vnsel vm2, $0x7F61B1E6, v19  }
0x1f6: {  	v62 =	vld.idx.msk [tilespmem:v29+s2+$0x0], vm8;
	v39 =	vsel vm10, v53, v59;
	vm2 =	vle.f32 v54, v60;
	(xrf1) =	vsort.dscd.msk.f32 $0xffff, v19, v46  }
0x1f7: {  	v37 =	vld.idx.msk [tilespmem:v28+s14+$0x0], vm9;
	v19 =	vsel vm2, v54, v60;
	v40 =	vsel vm2, v25, v61;
	(xrf1) =	vsort.ascd.msk.f32 $0xffff, v3, v39  }
0x1f8: {  	vm5 =	vmand vm5, vm6;
	v1 =	vnsel vm3, $0x7F61B1E6, v1;
	v20 =	vsub.f32 v20, v21;
	v63 =	vld.idx.msk [tilespmem:v27+s13+$0x0], vm0;
	(xrf1) =	vsort.ascd.msk.f32 $0xffff, v19, v40  }
0x1f9: {  	p2 =	sne.s32 s4, $0x1;
	vm3 =	vne.s32 v29, v5;
	v26 =	vmul.f32 v26, v16;
	v3 =	vld.idx.msk [tilespmem:v29+s13+$0x0], vm8;
	(xrf1) =	vsort.dscd.msk.f32 $0xffff, v1, v45  }
.Ltmp10:
0x1fa: {  	v43 =	vld.idx.msk [tilespmem:v28+s13+$0x0], vm9;
	vm2 =	vne.s32 v30, v4;
	v19 =	vmul.f32 v24, v17;
	v1 =	vnsel vm5, $0x7F61B1E6, v20;
	(pc) =	sbr.rel @!p2 .LBB2_16-.Ltmp10, $4  }
0x1fb: {  	vm1 =	vmmov vm9;
	v41 =	vld.idx.msk [tilespmem:v28+s2+$0x0], vm9;
	vm4 =	vmand vm2, vm7;
	vm2 =	vmand vm3, vm8;
	(xrf1) =	vsort.dscd.msk.f32 $0xffff, v1, v42  }
0x1fc: {  	v39 =	vld.idx.msk [tilespmem:v27+s2+$0x0], vm0;
	vm3 =	vne.s32 v28, v2;
	v1 =	vadd.f32 v19, v26;
	v19 =	vmul.f32 v58, v18  }
0x1fd: {  	v47 =	vmul.f32 v62, v14;
	v40 =	vld.idx.msk [tilespmem:v27+s14+$0x0], vm0;
	vm3 =	vmand vm3, vm1;
	vm5 =	vne.s32 v27, v6  }
0x1fe: {  	s4 =	sadd.s32 $0xFFFFFFFF, s4;
	s5 =	simm.s32 $0x9130;
	p1 =	por $0x1, $0x1;
	v36 =	vld.idx.msk [tilespmem:v29+s18+$0x0], vm8;
	v44 =	vmul.f32 v63, v13;
	v49 =	vmul.f32 v3, v15;
	v50 =	vadd.f32 v19, v1  }
.LBB2_15:
0x1ff: {  	v1 =	vld [tilespmem:s5+$0x0];
	vm5 =	vmand vm5, vm0;
	v3 =	vmul.f32 v43, v11;
	v19 =	vmul.f32 v37, v12;
	s1 =	sadd.s32 $0x10, s1;
	s23 =	sadd.s32 $0x10, s23;
	s0 =	sadd.s32 $0x10, s0;
	v20, v21, _ =	vpop (xrf1)  }
0x200: {  	p2 =	sne.s32 s4, $0x1;
	s4 =	sadd.s32 $0xFFFFFFFF, s4;
	v35 =	vmul.f32 v35, v9;
	s19 =	sadd.s32 $0x10, s19;
	v24 =	vor.u32 s0, v0;
	v26 =	vld [tilespmem:s1+$0x0];
	v37 =	vadd.f32 v50, v50;
	v42, v43, _ =	vpop (xrf1)  }
0x201: {  	v39 =	vmul.f32 v39, v7;
	v45 =	vld [tilespmem:s19+$0x0];
	vm6 =	vlt.s32 v24, v31;
	vm8 =	vlt.s32 v24, v33;
	v46, v48, _ =	vpop (xrf1)  }
0x202: {  	v56 =	vmul.f32 v41, v10;
	vm7 =	vlt.s32 v24, v32;
	v40 =	vmul.f32 v40, v8;
	v50 =	vld [tilespmem:s23+$0x0]  }
0x203: {  	v57 =	vadd.f32 v49, v47;
	v39 =	vadd.f32 v44, v39;
	v47 =	vld.idx.msk [tilespmem:v28+s18+$0x0], vm1;
	vm1 =	vle.f32 v20, v46  }
0x204: {  	v3 =	vadd.f32 v3, v56;
	v49 =	vld.idx.msk [tilespmem:v27+s18+$0x0], vm0;
	vm0 =	vlt.s32 v24, v34;
	v21 =	vsel vm1, v21, v48;
	v24, v41, _ =	vpop (xrf1)  }
0x205: {  	v35 =	vadd.f32 v35, v57;
	v37 =	vsub.f32 v38, v37;
	vm9 =	vle.f32 v42, v24;
	v38, v44, _ =	vpop (xrf1)  }
0x206: {  	v56 =	vsel vm1, v20, v46;
	v24 =	vsel vm9, v42, v24;
	v57 =	vsel vm9, v43, v41;
	v42, v43, _ =	vpop (xrf1)  }
0x207: {  	v48 =	vadd.f32 v35, v35;
	v3 =	vadd.f32 v19, v3;
	v46 =	vld.idx.msk [tilespmem:v1+s14+$0x0], vm6;
	(xrf1) =	vsort.ascd.msk.f32 $0xffff, v56, v21;
	v19, v20, _ =	vpop (xrf1)  }
0x208: {  	v37 =	vnsel vm4, $0x7F61B1E6, v37;
	vm1 =	vmmov vm8;
	v21 =	vld.idx.msk [tilespmem:v1+s2+$0x0], vm6;
	vm4 =	vle.f32 v38, v19;
	(xrf1) =	vsort.ascd.msk.f32 $0xffff, v24, v57  }
0x209: {  	v3 =	vadd.f32 v3, v3;
	v24 =	vsub.f32 v36, v48;
	v35 =	vld.idx.msk [tilespmem:v26+s14+$0x0], vm7;
	(xrf1) =	vsort.dscd.msk.f32 $0xffff, v37, v30;
	v36, v41, _ =	vpop (xrf1)  }
0x20a: {  	v39 =	vadd.f32 v40, v39;
	v19 =	vsel vm4, v38, v19;
	v20 =	vsel vm4, v44, v20;
	v48 =	vld.idx.msk [tilespmem:v1+s13+$0x0], vm6  }
0x20b: {  	v3 =	vsub.f32 v47, v3;
	v30 =	vmovc v1;
	v24 =	vnsel vm2, $0x7F61B1E6, v24;
	vm2 =	vle.f32 v42, v36;
	v38 =	vld.idx.msk [tilespmem:v26+s2+$0x0], vm7  }
0x20c: {  	v1 =	vadd.f32 v39, v39;
	v37 =	vld.idx.msk [tilespmem:v50+s14+$0x0], vm8;
	(xrf1) =	vsort.dscd.msk.f32 $0xffff, v24, v29;
	v24 =	vsel vm2, v42, v36  }
0x20d: {  	v3 =	vnsel vm3, $0x7F61B1E6, v3;
	v39 =	vsel vm2, v43, v41;
	v29 =	vmovc v26;
	v36 =	vld.idx.msk [tilespmem:v45+s13+$0x0], vm0;
	(xrf1) =	vsort.ascd.msk.f32 $0xffff, v19, v20  }
0x20e: {  	v1 =	vsub.f32 v49, v1;
	v20 =	vmul.f32 v21, v16;
	v19 =	vld.idx.msk [tilespmem:v26+s13+$0x0], vm7;
	(xrf1) =	vsort.ascd.msk.f32 $0xffff, v24, v39  }
0x20f: {  	vm3 =	vne.s32 v30, v4;
	vm2 =	vne.s32 v29, v5;
	v43 =	vld.idx.msk [tilespmem:v50+s13+$0x0], vm8;
	(xrf1) =	vsort.dscd.msk.f32 $0xffff, v3, v28  }
.Ltmp11:
0x210: {  	vm4 =	vmand vm3, vm6;
	v1 =	vnsel vm5, $0x7F61B1E6, v1;
	v3 =	vmul.f32 v48, v17;
	v28 =	vmovc v50;
	v39 =	vld.idx.msk [tilespmem:v45+s2+$0x0], vm0;
	(pc) =	sbr.rel @p2 .LBB2_15-.Ltmp11, $4  }
0x211: {  	vm2 =	vmand vm2, vm7;
	vm3 =	vne.s32 v28, v2;
	v41 =	vld.idx.msk [tilespmem:v50+s2+$0x0], vm8;
	(xrf1) =	vsort.dscd.msk.f32 $0xffff, v1, v27;
	v27 =	vmov v45  }
0x212: {  	v1 =	vadd.f32 v3, v20;
	v3 =	vmul.f32 v46, v18;
	vm3 =	vmand vm3, vm1;
	v40 =	vld.idx.msk [tilespmem:v45+s14+$0x0], vm0  }
0x213: {  	v47 =	vmul.f32 v38, v14;
	vm5 =	vne.s32 v27, v6;
	v38 =	vld.idx.msk [tilespmem:v30+s18+$0x0], vm6  }
0x214: {  	s5 =	sadd.s32 $0x10, s5;
	v44 =	vmul.f32 v36, v13;
	v49 =	vmul.f32 v19, v15;
	v50 =	vadd.f32 v3, v1;
	v36 =	vld.idx.msk [tilespmem:v26+s18+$0x0], vm7  }
.LBB2_16:
0x215: {  	_ = 	snop  }
0x216: {  	v11 =	vmul.f32 v43, v11  }
0x217: {  	v1, v3, _ =	vpop @p1 (xrf1);
	v12 =	vmul.f32 v37, v12;
	v9 =	vmul.f32 v35, v9  }
0x218: {  	v13, v14, _ =	vpop @p1 (xrf1);
	v15 =	vadd.f32 v50, v50;
	v10 =	vmul.f32 v41, v10;
	v20 =	vadd.f32 v49, v47  }
0x219: {  	v1 =	vpsel p1, v1, v52;
	v3 =	vpsel p1, v3, v22;
	v7 =	vmul.f32 v39, v7;
	v16, v17, _ =	vpop @p0 (xrf1)  }
0x21a: {  	v13 =	vpsel p1, v13, v55;
	v14 =	vpsel p1, v14, v23;
	v8 =	vmul.f32 v40, v8;
	v18, v19, _ =	vpop @p0 (xrf1)  }
0x21b: {  	v9 =	vadd.f32 v9, v20;
	v10 =	vadd.f32 v11, v10;
	vm6 =	vle.f32 @p0 v13, v18  }
0x21c: {  	v13 =	vsel @p0 vm6, v13, v18;
	v14 =	vsel @p0 vm6, v14, v19;
	vm6 =	vle.f32 @p0 v1, v16  }
0x21d: {  	v15 =	vsub.f32 v38, v15;
	v7 =	vadd.f32 v44, v7;
	v3 =	vsel @p0 vm6, v3, v17  }
0x21e: {  	v9 =	vadd.f32 v9, v9;
	v18 =	vld.idx.msk [tilespmem:v28+s18+$0x0], vm1;
	v1 =	vsel @p0 vm6, v1, v16  }
0x21f: {  	v10 =	vadd.f32 v12, v10;
	v7 =	vadd.f32 v8, v7;
	v11, v17, _ =	vpop @p1 (xrf1)  }
0x220: {  	v9 =	vsub.f32 v36, v9;
	v16, v19, _ =	vpop @p1 (xrf1);
	(xrf1) =	vsort.ascd.msk.f32 @p0 $0xffff, v1, v3  }
0x221: {  	v61 =	vnsel vm4, $0x7F61B1E6, v15;
	v10 =	vadd.f32 v10, v10;
	v7 =	vadd.f32 v7, v7;
	v1, v3, _ =	vpop @p0 (xrf1);
	(xrf1) =	vsort.ascd.msk.f32 @p0 $0xffff, v13, v14  }
0x222: {  	v62 =	vld.idx.msk [tilespmem:v27+s18+$0x0], vm0;
	v11 =	vpsel p1, v11, v51;
	v8 =	vpsel p1, v17, v53;
	v14, v15, _ =	vpop @p0 (xrf1);
	(xrf1) =	vsort.dscd.msk.f32 $0xffff, v61, v30  }
0x223: {  	v9 =	vnsel vm2, $0x7F61B1E6, v9;
	v10 =	vsub.f32 v18, v10;
	vm1 =	vle.f32 @p0 v11, v1  }
0x224: {  	v3 =	vsel @p0 vm1, v8, v3;
	v8 =	vpsel p1, v16, v54;
	(xrf1) =	vsort.dscd.msk.f32 $0xffff, v9, v29  }
0x225: {  	v1 =	vsel @p0 vm1, v11, v1;
	v9 =	vpsel p1, v19, v25;
	vm1 =	vle.f32 @p0 v8, v14  }
0x226: {  	(xrf1) =	vsort.ascd.msk.f32 @p0 $0xffff, v1, v3;
	v8 =	vsel @p0 vm1, v8, v14;
	v9 =	vsel @p0 vm1, v9, v15  }
0x227: {  	v1 =	vnsel vm3, $0x7F61B1E6, v10;
	v3 =	vsub.f32 v62, v7;
	(xrf1) =	vsort.ascd.msk.f32 @p0 $0xffff, v8, v9  }
0x228: {  	vm11 =	vmand vm5, vm0;
	(xrf1) =	vsort.dscd.msk.f32 $0xffff, v1, v28  }
0x229: {  	v1 =	vnsel vm11, $0x7F61B1E6, v3  }
0x22a: {  	(xrf1) =	vsort.dscd.msk.f32 $0xffff, v1, v27;
	_ =	sdelay $0x3  }
0x22b: {  	v1, v3, _ =	vpop @p0 (xrf1)  }
0x22c: {  	v7, v8, _ =	vpop @p0 (xrf1)  }
0x22d: {  	v1 =	vpsel p0, v1, v52;
	v9, v10, _ =	vpop (xrf1)  }
0x22e: {  	v3 =	vpsel p0, v3, v22;
	vm12 =	vle.f32 v1, v9  }
0x22f: {  	v7 =	vpsel p0, v7, v55;
	v11, v63, _ =	vpop (xrf1);
	v3 =	vsel vm12, v3, v10  }
0x230: {  	v8 =	vpsel p0, v8, v23;
	vm13 =	vle.f32 v7, v11;
	v1 =	vsel vm12, v1, v9  }
0x231: {  	v10, v13, _ =	vpop @p0 (xrf1);
	v8 =	vsel vm13, v8, v63  }
0x232: {  	v7 =	vsel vm13, v7, v11;
	v9, v11, _ =	vpop @p0 (xrf1)  }
0x233: {  	(xrf1) =	vsort.ascd.msk.f32 $0xffff, v1, v3;
	v10 =	vpsel p0, v10, v51;
	v1, v3, _ =	vpop (xrf1)  }
0x234: {  	(xrf1) =	vsort.ascd.msk.f32 $0xffff, v7, v8;
	vm14 =	vle.f32 v10, v1  }
0x235: {  	v9 =	vpsel p0, v9, v54;
	v7, v8, _ =	vpop (xrf1);
	v1 =	vsel vm14, v10, v1;
	v10 =	vpsel p0, v13, v53  }
0x236: {  	vm15 =	vle.f32 v9, v7;
	v3 =	vsel vm14, v10, v3;
	v10 =	vpsel p0, v11, v25  }
0x237: {  	v7 =	vsel vm15, v9, v7;
	v8 =	vsel vm15, v10, v8;
	(xrf1) =	vsort.ascd.msk.f32 $0xffff, v1, v3  }
0x238: {  	(xrf1) =	vsort.ascd.msk.f32 $0xffff, v7, v8;
	_ =	sdelay $0x9  }
.Ltmp12:
0x239: {  	_ = 	snop;
	(pc) =	sbr.rel .LBB2_17-.Ltmp12, $4  }
0x23a: {  	v27, v22, _ =	vpop (xrf1)  }
0x23b: {  	v16, v23, _ =	vpop (xrf1)  }
0x23c: {  	v26, v24, _ =	vpop (xrf1)  }
0x23d: {  	v11, v25, _ =	vpop (xrf1)  }
.LBB2_11:
.Ltmp13:
0x23e: {  	v51 =	vld [tilespmem:$0x1FFD0];
	(pc) =	sbr.rel .LBB2_16-.Ltmp13, $4  }
0x23f: {  	v52 =	vld [tilespmem:$0x1FFB0]  }
0x240: {  	v53 =	vld [tilespmem:$0x1FFC0]  }
0x241: {  	v54 =	vld [tilespmem:$0x1FF90]  }
0x242: {  	v55 =	vld [tilespmem:$0x1FFA0]  }
.LBB2_13:
.Ltmp14:
0x243: {  	(pc) =	sbr.rel .LBB2_16-.Ltmp14, $2  }
0x244: {  	_ =	sdelay $0x2  }
0x245: {  	vm0 =	vmmov vm6;
	v28 =	vmovc v45;
	v27 =	vmovc v42;
	v30 =	vmov v48;
	v29 =	vmov v46  }
.LBB2_19:
0x246: {  	_ =	sfence.sel $0x180000  }
0x247: {  	[bflag:$0x0] =	sbarrier.arrive $0xFFFF  }
0x248: {  	_ =	strace $0x90000047  }
0x249: {  	s0 =	stileid.u32;
	[bflag:$0x2] =	sbarrier.arrive $0xFFFF  }
0x24a: {  	p0 =	sne.s32 s0, $0x0;
	s0 =	rddreg [dreg:$0x7]  }
0x24b: {  	s0 =	sadd.s32 @!p0 $0x100000, s0  }
0x24c: {  	[sflag:s0] =	ssyncadd.tile.s32 @!p0 $0x1;
	_ =	shalt  }
.Lfunc_end2:
_tile_overlayer_lowered:
.L_overlay_start_2:
0x24d: {  	(tag) =	ssettag $0x2  }
0x24e: {  	s0 =	rddreg [dreg:$0x0];
	s2 =	stileid.u32  }
0x24f: {  	s1 =	rddreg [dreg:$0x1];
	p0 =	sne.s32 s2, $0x0  }
0x250: {  	s3 =	rddreg [dreg:$0x2];
	[bflag:$0x3] =	sbarrier.arrive $0xFFFF;
	s2 =	simm.s32 @!p0 $0x1C01  }
0x251: {  	[timem:s3], [sflag:s2] =	dma.local @!p0 [hbm:s0], s1  }
0x252: {  	s0 =	simm.s32 @!p0 $0x1  }
0x253: {  	_ =	swait.ge @!p0 [sflag:s0], s1  }
0x254: {  	s1 =	ssub.s32 @!p0 $0x0, s1;
	[sflag:s0] =	ssyncset.done @!p0 $0x0  }
0x255: {  	[sflag:s0] =	ssyncadd.s32 @!p0 s1  }
0x256: {  	[bflag:$0x3] =	sbarrier.arrive $0xFFFF  }
0x257: {  	_ =	shalt  }

</sc_bundles>
